<compile_context>
chip_gen: v7x
topology: tpu7x:2x2x1
jax: 0.10.2.dev20260603
libtpu: 0.0.44.dev20260713+nightly
codegen_flags: <defaults>
</compile_context>

<pallas_src>
import functools

import jax
import jax.numpy as jnp
from jax import lax
from jax.experimental import pallas as pl
from jax.experimental.pallas import tpu as pltpu
from jax.experimental.pallas import tpu_sc as plsc

NROWS = 100000
BATCH = 16384
HALF = BATCH // 2
D = 32
NC = 2
NS = 16
NW = NC * NS
BPW = HALF // NW
CH = 128
SUB = 2
NRD = BPW // (SUB * CH)

RB = 8192
RGRID = (NROWS + RB - 1) // RB


def _repack_body(mu_r, mi_r, pu_r, pi_r, w2a_r, o_r):
    c0 = (mu_r[:] * w2a_r[:]).astype(jnp.bfloat16).T
    c1 = mi_r[:].astype(jnp.bfloat16).T
    c2 = pu_r[:].astype(jnp.bfloat16).T
    c3 = pi_r[:].astype(jnp.bfloat16).T
    o_r[:] = pltpu.bitcast(jnp.concatenate([c0, c1, c2, c3], axis=1),
                           jnp.int32)


def _repack(mu_t, mi_t, pu_t, pi_t, w2a):
    col_spec = pl.BlockSpec((D, RB), lambda b: (0, b))

    def whole(a):
        return pl.BlockSpec(a.shape, lambda b: tuple(0 for _ in a.shape))

    return pl.pallas_call(
        _repack_body,
        grid=(RGRID,),
        in_specs=[col_spec, col_spec, col_spec, col_spec, whole(w2a)],
        out_specs=pl.BlockSpec((RB // 2, 4 * D), lambda b: (b, 0)),
        out_shape=jax.ShapeDtypeStruct((NROWS // 2, 4 * D), jnp.int32),
    )(mu_t, mi_t, pu_t, pi_t, w2a)


def _sc_gather(u3, i3, table):
    mesh = plsc.VectorSubcoreMesh(core_axis_name="c", subcore_axis_name="s")
    out_t = [jax.ShapeDtypeStruct((HALF, 128), jnp.int32)
             for _ in range(2)]
    scratch = [
        pltpu.VMEM((NRD, SUB, CH), jnp.int32),
        pltpu.VMEM((NRD, SUB, CH), jnp.int32),
        pltpu.VMEM((SUB, CH, 128), jnp.int32),
        pltpu.VMEM((SUB, CH, 128), jnp.int32),
        pltpu.SemaphoreType.DMA,
        pltpu.SemaphoreType.DMA,
    ]

    @functools.partial(pl.kernel, out_type=out_t, mesh=mesh,
                       scratch_types=scratch)
    def k(u_h, i_h, t_h, ou, oi, uv, iv, gu, gi, sem, wsem):
        wid = lax.axis_index("s") * NC + lax.axis_index("c")
        base = wid * BPW
        pltpu.sync_copy(u_h.at[wid], uv)
        pltpu.sync_copy(i_h.at[wid], iv)
        for r in range(NRD):
            cs = []
            for s in range(SUB):
                cs.append(pltpu.async_copy(
                    t_h.at[uv.at[r, s]], gu.at[s], sem))
                cs.append(pltpu.async_copy(
                    t_h.at[iv.at[r, s]], gi.at[s], sem))
            for c in cs:
                c.wait()
            ws = []
            for s in range(SUB):
                ro = base + (r * SUB + s) * CH
                ws.append(pltpu.async_copy(
                    gu.at[s], ou.at[pl.ds(ro, CH)], wsem))
                ws.append(pltpu.async_copy(
                    gi.at[s], oi.at[pl.ds(ro, CH)], wsem))
            for w in ws:
                w.wait()

    return k(u3, i3, table)


BLK = 4096


def _unpack(g32, sh):
    gu32 = lax.bitcast_convert_type(g32, jnp.uint32)
    bits = ((gu32 >> sh) & jnp.uint32(0xFFFF)).astype(jnp.uint16)
    return lax.bitcast_convert_type(bits, jnp.bfloat16)


def _tc_body(gu_r, gi_r, inp_r, W0_r, b0_r, W1_r, b1_r, Wl_r, bl_r,
             w2b_r, b2_r, o_r):
    dot = functools.partial(jnp.dot, preferred_element_type=jnp.float32)
    shu = ((inp_r[:, 0:1] & 1) << 4).astype(jnp.uint32)
    shi = ((inp_r[:, 1:2] & 1) << 4).astype(jnp.uint32)
    mfu_s = _unpack(gu_r[:, 0:D], shu)
    mfi = _unpack(gi_r[:, D:2 * D], shi)
    mlpu = _unpack(gu_r[:, 2 * D:3 * D], shu)
    mlpi = _unpack(gi_r[:, 3 * D:4 * D], shi)
    x = dot(mlpu, W0_r[0:D, :]) + dot(mlpi, W0_r[D:2 * D, :])
    x = jnp.maximum(x + b0_r[:], 0.0)
    x = jnp.maximum(dot(x.astype(jnp.bfloat16), W1_r[:]) + b1_r[:], 0.0)
    mlp_vec = dot(x.astype(jnp.bfloat16), Wl_r[:]) + bl_r[:]
    mf = (mfu_s * mfi).astype(jnp.float32)
    logits = (jnp.sum(mf, axis=1)
              + jnp.sum(mlp_vec * w2b_r[:], axis=1) + b2_r[0, 0])
    o_r[:] = jax.nn.sigmoid(logits)


def _tc_mlp(gu, gi, inputs, W0, b0, W1, b1, Wl, bl, w2b, b2):
    grid = (HALF // BLK,)
    row_spec = pl.BlockSpec((BLK, 128), lambda b: (b, 0))
    inp_spec = pl.BlockSpec((BLK, 2), lambda b: (b, 0))

    def whole(a):
        return pl.BlockSpec(a.shape, lambda b: tuple(0 for _ in a.shape))

    return pl.pallas_call(
        _tc_body,
        grid=grid,
        in_specs=[row_spec, row_spec, inp_spec,
                  whole(W0), whole(b0), whole(W1), whole(b1),
                  whole(Wl), whole(bl), whole(w2b), whole(b2)],
        out_specs=pl.BlockSpec((BLK,), lambda b: (b,)),
        out_shape=jax.ShapeDtypeStruct((HALF,), jnp.float32),
    )(gu, gi, inputs, W0, b0, W1, b1, Wl, bl, w2b, b2)


def kernel(inputs, mf_user, mf_item, mlp_user, mlp_item,
           W0, b0, W1, b1, Wl, bl, W2, b2):
    w2a = W2[0:D, 0].reshape(D, 1)
    w2b = W2[D:2 * D, 0].reshape(1, D)
    t32 = _repack(mf_user.T, mf_item.T, mlp_user.T, mlp_item.T, w2a)
    u = inputs[:, 0]
    i = inputs[:, 1]
    uq = (u >> 1).reshape(2, NW, NRD, SUB, CH)
    iq = (i >> 1).reshape(2, NW, NRD, SUB, CH)
    wargs = (W0.astype(jnp.bfloat16), b0.reshape(1, -1),
             W1.astype(jnp.bfloat16), b1.reshape(1, -1),
             Wl.astype(jnp.bfloat16), bl.reshape(1, -1),
             w2b, b2.reshape(1, 1))
    outs = []
    for h in range(2):
        gu, gi = _sc_gather(uq[h], iq[h], t32)
        outs.append(_tc_mlp(gu, gi, inputs[h * HALF:(h + 1) * HALF],
                            *wargs))
    return jnp.concatenate(outs)

# --- scband reference (transcript-rebuilt; emitter-appended) ---
"""Pipeline reference for scband-neural-mf-11227044512290 (READ-ONLY COPY).

The authoritative reference and input builder live on the scoring server;
editing this copy changes nothing except your own understanding.
"""

import jax, jax.numpy as jnp
import numpy as np

NUM_USERS = 100000
NUM_ITEMS = 100000
MF_DIM = 32
LAYERS = [64, 32, 16]
BATCH = 16384


def setup_inputs(seed: int = 0) -> dict:
    key = jax.random.key(seed)
    ks = jax.random.split(key, 16)
    inputs = jax.random.randint(ks[0], (BATCH, 2), 0, NUM_USERS, dtype=jnp.int32)
    s = 0.02
    mf_user = jax.random.normal(ks[1], (NUM_USERS, MF_DIM), dtype=jnp.float32) * s
    mf_item = jax.random.normal(ks[2], (NUM_ITEMS, MF_DIM), dtype=jnp.float32) * s
    mlp_user = jax.random.normal(ks[3], (NUM_USERS, LAYERS[0] // 2), dtype=jnp.float32) * s
    mlp_item = jax.random.normal(ks[4], (NUM_ITEMS, LAYERS[0] // 2), dtype=jnp.float32) * s
    W0 = jax.random.normal(ks[5], (LAYERS[0], LAYERS[1]), dtype=jnp.float32) * (1.0 / np.sqrt(LAYERS[0]))
    b0 = jnp.zeros((LAYERS[1],), dtype=jnp.float32)
    W1 = jax.random.normal(ks[6], (LAYERS[1], LAYERS[2]), dtype=jnp.float32) * (1.0 / np.sqrt(LAYERS[1]))
    b1 = jnp.zeros((LAYERS[2],), dtype=jnp.float32)
    Wl = jax.random.normal(ks[7], (LAYERS[2], MF_DIM), dtype=jnp.float32) * (1.0 / np.sqrt(LAYERS[2]))
    bl = jnp.zeros((MF_DIM,), dtype=jnp.float32)
    W2 = jax.random.normal(ks[8], (2 * MF_DIM, 1), dtype=jnp.float32) * (1.0 / np.sqrt(2 * MF_DIM))
    b2 = jnp.zeros((1,), dtype=jnp.float32)
    return {"inputs": inputs, "mf_user": mf_user, "mf_item": mf_item,
            "mlp_user": mlp_user, "mlp_item": mlp_item,
            "W0": W0, "b0": b0, "W1": W1, "b1": b1,
            "Wl": Wl, "bl": bl, "W2": W2, "b2": b2}


def reference(inputs, mf_user, mf_item, mlp_user, mlp_item, W0, b0, W1, b1, Wl, bl, W2, b2):
    u = inputs[:, 0]
    i = inputs[:, 1]
    mf_u = jnp.take(mf_user, u, axis=0)
    mf_i = jnp.take(mf_item, i, axis=0)
    mf_vec = mf_u * mf_i
    mlp_u = jnp.take(mlp_user, u, axis=0)
    mlp_i = jnp.take(mlp_item, i, axis=0)
    x = jnp.concatenate([mlp_u, mlp_i], axis=-1)
    x = jax.nn.relu(x @ W0 + b0)
    x = jax.nn.relu(x @ W1 + b1)
    mlp_vec = x @ Wl + bl
    vector = jnp.concatenate([mf_vec, mlp_vec], axis=-1)
    out = jax.nn.sigmoid(vector @ W2 + b2)
    return out.squeeze(-1)

if __name__ == "__main__":
    import jax
    _d = setup_inputs()
    print(jax.jit(kernel)(*tuple(_d.values())))

</pallas_src>

<mosaic_0001>
#map = affine_map<(d0, d1) -> (0, 0, 0, 0)>
#map1 = affine_map<(d0, d1) -> (0, 0)>
module attributes {stable_mosaic.version = 14 : i64} {
  func.func @k(%arg0: i32, %arg1: i32, %arg2: memref<32x1x2x128xi32, #tpu.memory_space<hbm>>, %arg3: memref<32x1x2x128xi32, #tpu.memory_space<hbm>>, %arg4: memref<50000x128xi32, #tpu.memory_space<hbm>>, %arg5: memref<8192x128xi32, #tpu.memory_space<hbm>>, %arg6: memref<8192x128xi32, #tpu.memory_space<hbm>>, %arg7: memref<1x2x128xi32, #tpu.memory_space<vmem>>, %arg8: memref<1x2x128xi32, #tpu.memory_space<vmem>>, %arg9: memref<2x128x128xi32, #tpu.memory_space<vmem>>, %arg10: memref<2x128x128xi32, #tpu.memory_space<vmem>>, %arg11: memref<!tpu.dma_semaphore, #tpu.memory_space<semaphore_mem>>, %arg12: memref<!tpu.dma_semaphore, #tpu.memory_space<semaphore_mem>>) attributes {dimension_semantics = [#tpu.dimension_semantics<core_parallel>, #tpu.dimension_semantics<subcore_parallel>], iteration_bounds = array<i64: 2, 16>, scalar_prefetch = 0 : i64, scratch_operands = 6 : i64, tpu.core_type = #tpu.core_type<sc_vector_subcore>, window_params = [{transform_indices = #map}, {transform_indices = #map}, {transform_indices = #map1}, {transform_indices = #map1}, {transform_indices = #map1}]} {
    %mul3A = arith.constant 2 : i32
    %mul3A_0 = arith.muli %arg1, %mul3A : i32
    %add3A = arith.addi %mul3A_0, %arg0 : i32
    %mul3A_1 = arith.constant 256 : i32
    %mul3A_2 = arith.muli %add3A, %mul3A_1 : i32
    "tpu.region"() ({
      %run_scoped3A = tpu.sem_alloc : memref<!tpu.dma_semaphore, #tpu.memory_space<semaphore_mem>>
      %dma_start3A_213 = arith.constant 0 : i32
      %dma_start3A_214 = arith.constant 0 : i32
      %dma_start3A_215 = arith.constant 0 : i32
      %dma_start3A_216 = tpu.memref_slice %arg2[%add3A, %dma_start3A_213, %dma_start3A_214, %dma_start3A_215] : memref<32x1x2x128xi32, #tpu.memory_space<hbm>> -> memref<1x1x2x128xi32, #tpu.memory_space<hbm>>
      %dma_start3A_217 = tpu.memref_squeeze %dma_start3A_216 : memref<1x1x2x128xi32, #tpu.memory_space<hbm>> -> memref<1x2x128xi32, #tpu.memory_space<hbm>>
      %dma_start3A_218 = arith.constant 0 : i32
      %dma_start3A_219 = arith.constant 0 : i32
      %dma_start3A_220 = arith.constant 0 : i32
      %dma_start3A_221 = tpu.memref_slice %arg2[%add3A, %dma_start3A_218, %dma_start3A_219, %dma_start3A_220] : memref<32x1x2x128xi32, #tpu.memory_space<hbm>> -> memref<1x1x2x128xi32, #tpu.memory_space<hbm>>
      %dma_start3A_222 = tpu.memref_squeeze %dma_start3A_221 : memref<1x1x2x128xi32, #tpu.memory_space<hbm>> -> memref<1x2x128xi32, #tpu.memory_space<hbm>>
      tpu.enqueue_dma source(%dma_start3A_222 : memref<1x2x128xi32, #tpu.memory_space<hbm>>) target(%arg7 : memref<1x2x128xi32, #tpu.memory_space<vmem>>) target_semaphore(%run_scoped3A : memref<!tpu.dma_semaphore, #tpu.memory_space<semaphore_mem>>)
      %dma_wait3A_223 = arith.constant 0 : i32
      %dma_wait3A_224 = arith.constant 0 : i32
      %dma_wait3A_225 = arith.constant 0 : i32
      %dma_wait3A_226 = tpu.memref_slice %arg2[%add3A, %dma_wait3A_223, %dma_wait3A_224, %dma_wait3A_225] : memref<32x1x2x128xi32, #tpu.memory_space<hbm>> -> memref<1x1x2x128xi32, #tpu.memory_space<hbm>>
      %dma_wait3A_227 = tpu.memref_squeeze %dma_wait3A_226 : memref<1x1x2x128xi32, #tpu.memory_space<hbm>> -> memref<1x2x128xi32, #tpu.memory_space<hbm>>
      %dma_wait3A_228 = arith.constant 0 : i32
      %dma_wait3A_229 = arith.constant 0 : i32
      %dma_wait3A_230 = arith.constant 0 : i32
      %dma_wait3A_231 = tpu.memref_slice %arg2[%add3A, %dma_wait3A_228, %dma_wait3A_229, %dma_wait3A_230] : memref<32x1x2x128xi32, #tpu.memory_space<hbm>> -> memref<1x1x2x128xi32, #tpu.memory_space<hbm>>
      %dma_wait3A_232 = tpu.memref_squeeze %dma_wait3A_231 : memref<1x1x2x128xi32, #tpu.memory_space<hbm>> -> memref<1x2x128xi32, #tpu.memory_space<hbm>>
      tpu.wait_dma2 semaphore(%run_scoped3A : memref<!tpu.dma_semaphore, #tpu.memory_space<semaphore_mem>>) src(%dma_wait3A_232 : memref<1x2x128xi32, #tpu.memory_space<hbm>>) dst(%arg7 : memref<1x2x128xi32, #tpu.memory_space<vmem>>)
      tpu.yield
    }) : () -> ()
    "tpu.region"() ({
      %run_scoped3A = tpu.sem_alloc : memref<!tpu.dma_semaphore, #tpu.memory_space<semaphore_mem>>
      %dma_start3A_213 = arith.constant 0 : i32
      %dma_start3A_214 = arith.constant 0 : i32
      %dma_start3A_215 = arith.constant 0 : i32
      %dma_start3A_216 = tpu.memref_slice %arg3[%add3A, %dma_start3A_213, %dma_start3A_214, %dma_start3A_215] : memref<32x1x2x128xi32, #tpu.memory_space<hbm>> -> memref<1x1x2x128xi32, #tpu.memory_space<hbm>>
      %dma_start3A_217 = tpu.memref_squeeze %dma_start3A_216 : memref<1x1x2x128xi32, #tpu.memory_space<hbm>> -> memref<1x2x128xi32, #tpu.memory_space<hbm>>
      %dma_start3A_218 = arith.constant 0 : i32
      %dma_start3A_219 = arith.constant 0 : i32
      %dma_start3A_220 = arith.constant 0 : i32
      %dma_start3A_221 = tpu.memref_slice %arg3[%add3A, %dma_start3A_218, %dma_start3A_219, %dma_start3A_220] : memref<32x1x2x128xi32, #tpu.memory_space<hbm>> -> memref<1x1x2x128xi32, #tpu.memory_space<hbm>>
      %dma_start3A_222 = tpu.memref_squeeze %dma_start3A_221 : memref<1x1x2x128xi32, #tpu.memory_space<hbm>> -> memref<1x2x128xi32, #tpu.memory_space<hbm>>
      tpu.enqueue_dma source(%dma_start3A_222 : memref<1x2x128xi32, #tpu.memory_space<hbm>>) target(%arg8 : memref<1x2x128xi32, #tpu.memory_space<vmem>>) target_semaphore(%run_scoped3A : memref<!tpu.dma_semaphore, #tpu.memory_space<semaphore_mem>>)
      %dma_wait3A_223 = arith.constant 0 : i32
      %dma_wait3A_224 = arith.constant 0 : i32
      %dma_wait3A_225 = arith.constant 0 : i32
      %dma_wait3A_226 = tpu.memref_slice %arg3[%add3A, %dma_wait3A_223, %dma_wait3A_224, %dma_wait3A_225] : memref<32x1x2x128xi32, #tpu.memory_space<hbm>> -> memref<1x1x2x128xi32, #tpu.memory_space<hbm>>
      %dma_wait3A_227 = tpu.memref_squeeze %dma_wait3A_226 : memref<1x1x2x128xi32, #tpu.memory_space<hbm>> -> memref<1x2x128xi32, #tpu.memory_space<hbm>>
      %dma_wait3A_228 = arith.constant 0 : i32
      %dma_wait3A_229 = arith.constant 0 : i32
      %dma_wait3A_230 = arith.constant 0 : i32
      %dma_wait3A_231 = tpu.memref_slice %arg3[%add3A, %dma_wait3A_228, %dma_wait3A_229, %dma_wait3A_230] : memref<32x1x2x128xi32, #tpu.memory_space<hbm>> -> memref<1x1x2x128xi32, #tpu.memory_space<hbm>>
      %dma_wait3A_232 = tpu.memref_squeeze %dma_wait3A_231 : memref<1x1x2x128xi32, #tpu.memory_space<hbm>> -> memref<1x2x128xi32, #tpu.memory_space<hbm>>
      tpu.wait_dma2 semaphore(%run_scoped3A : memref<!tpu.dma_semaphore, #tpu.memory_space<semaphore_mem>>) src(%dma_wait3A_232 : memref<1x2x128xi32, #tpu.memory_space<hbm>>) dst(%arg8 : memref<1x2x128xi32, #tpu.memory_space<vmem>>)
      tpu.yield
    }) : () -> ()
    %dma_start3A = arith.constant 0 : i32
    %dma_start3A_3 = arith.constant 0 : i32
    %dma_start3A_4 = arith.constant 0 : i32
    %dma_start3A_5 = arith.constant 0 : i32
    %dma_start3A_6 = arith.constant 0 : i32
    %dma_start3A_7 = tpu.memref_slice %arg9[%dma_start3A_4, %dma_start3A_5, %dma_start3A_6] : memref<2x128x128xi32, #tpu.memory_space<vmem>> -> memref<1x128x128xi32, #tpu.memory_space<vmem>>
    %dma_start3A_8 = tpu.memref_squeeze %dma_start3A_7 : memref<1x128x128xi32, #tpu.memory_space<vmem>> -> memref<128x128xi32, #tpu.memory_space<vmem>>
    %dma_start3A_9 = arith.constant 0 : i32
    %dma_start3A_10 = tpu.memref_slice %arg7[%dma_start3A, %dma_start3A_3, %dma_start3A_9] : memref<1x2x128xi32, #tpu.memory_space<vmem>> -> memref<1x1x128xi32, #tpu.memory_space<vmem>>
    %dma_start3A_11 = tpu.memref_squeeze %dma_start3A_10 : memref<1x1x128xi32, #tpu.memory_space<vmem>> -> memref<128xi32, #tpu.memory_space<vmem>>
    %dma_start3A_12 = arith.constant 0 : i32
    %dma_start3A_13 = arith.constant 0 : i32
    %dma_start3A_14 = tpu.memref_slice %arg4[%dma_start3A_12, %dma_start3A_13] : memref<50000x128xi32, #tpu.memory_space<hbm>> -> memref<50000x128xi32, #tpu.memory_space<hbm>>
    tpu.enqueue_indirect_dma source(%dma_start3A_14 : memref<50000x128xi32, #tpu.memory_space<hbm>>) target(%dma_start3A_8 : memref<128x128xi32, #tpu.memory_space<vmem>>) offsets(%dma_start3A_11 : memref<128xi32, #tpu.memory_space<vmem>>) semaphore(%arg11 : memref<!tpu.dma_semaphore, #tpu.memory_space<semaphore_mem>>)
    %dma_start3A_15 = arith.constant 0 : i32
    %dma_start3A_16 = arith.constant 0 : i32
    %dma_start3A_17 = arith.constant 0 : i32
    %dma_start3A_18 = arith.constant 0 : i32
    %dma_start3A_19 = arith.constant 0 : i32
    %dma_start3A_20 = tpu.memref_slice %arg10[%dma_start3A_17, %dma_start3A_18, %dma_start3A_19] : memref<2x128x128xi32, #tpu.memory_space<vmem>> -> memref<1x128x128xi32, #tpu.memory_space<vmem>>
    %dma_start3A_21 = tpu.memref_squeeze %dma_start3A_20 : memref<1x128x128xi32, #tpu.memory_space<vmem>> -> memref<128x128xi32, #tpu.memory_space<vmem>>
    %dma_start3A_22 = arith.constant 0 : i32
    %dma_start3A_23 = tpu.memref_slice %arg8[%dma_start3A_15, %dma_start3A_16, %dma_start3A_22] : memref<1x2x128xi32, #tpu.memory_space<vmem>> -> memref<1x1x128xi32, #tpu.memory_space<vmem>>
    %dma_start3A_24 = tpu.memref_squeeze %dma_start3A_23 : memref<1x1x128xi32, #tpu.memory_space<vmem>> -> memref<128xi32, #tpu.memory_space<vmem>>
    %dma_start3A_25 = arith.constant 0 : i32
    %dma_start3A_26 = arith.constant 0 : i32
    %dma_start3A_27 = tpu.memref_slice %arg4[%dma_start3A_25, %dma_start3A_26] : memref<50000x128xi32, #tpu.memory_space<hbm>> -> memref<50000x128xi32, #tpu.memory_space<hbm>>
    tpu.enqueue_indirect_dma source(%dma_start3A_27 : memref<50000x128xi32, #tpu.memory_space<hbm>>) target(%dma_start3A_21 : memref<128x128xi32, #tpu.memory_space<vmem>>) offsets(%dma_start3A_24 : memref<128xi32, #tpu.memory_space<vmem>>) semaphore(%arg11 : memref<!tpu.dma_semaphore, #tpu.memory_space<semaphore_mem>>)
    %dma_start3A_28 = arith.constant 0 : i32
    %dma_start3A_29 = arith.constant 1 : i32
    %dma_start3A_30 = arith.constant 1 : i32
    %dma_start3A_31 = arith.constant 0 : i32
    %dma_start3A_32 = arith.constant 0 : i32
    %dma_start3A_33 = tpu.memref_slice %arg9[%dma_start3A_30, %dma_start3A_31, %dma_start3A_32] : memref<2x128x128xi32, #tpu.memory_space<vmem>> -> memref<1x128x128xi32, #tpu.memory_space<vmem>>
    %dma_start3A_34 = tpu.memref_squeeze %dma_start3A_33 : memref<1x128x128xi32, #tpu.memory_space<vmem>> -> memref<128x128xi32, #tpu.memory_space<vmem>>
    %dma_start3A_35 = arith.constant 0 : i32
    %dma_start3A_36 = tpu.memref_slice %arg7[%dma_start3A_28, %dma_start3A_29, %dma_start3A_35] : memref<1x2x128xi32, #tpu.memory_space<vmem>> -> memref<1x1x128xi32, #tpu.memory_space<vmem>>
    %dma_start3A_37 = tpu.memref_squeeze %dma_start3A_36 : memref<1x1x128xi32, #tpu.memory_space<vmem>> -> memref<128xi32, #tpu.memory_space<vmem>>
    %dma_start3A_38 = arith.constant 0 : i32
    %dma_start3A_39 = arith.constant 0 : i32
    %dma_start3A_40 = tpu.memref_slice %arg4[%dma_start3A_38, %dma_start3A_39] : memref<50000x128xi32, #tpu.memory_space<hbm>> -> memref<50000x128xi32, #tpu.memory_space<hbm>>
    tpu.enqueue_indirect_dma source(%dma_start3A_40 : memref<50000x128xi32, #tpu.memory_space<hbm>>) target(%dma_start3A_34 : memref<128x128xi32, #tpu.memory_space<vmem>>) offsets(%dma_start3A_37 : memref<128xi32, #tpu.memory_space<vmem>>) semaphore(%arg11 : memref<!tpu.dma_semaphore, #tpu.memory_space<semaphore_mem>>)
    %dma_start3A_41 = arith.constant 0 : i32
    %dma_start3A_42 = arith.constant 1 : i32
    %dma_start3A_43 = arith.constant 1 : i32
    %dma_start3A_44 = arith.constant 0 : i32
    %dma_start3A_45 = arith.constant 0 : i32
    %dma_start3A_46 = tpu.memref_slice %arg10[%dma_start3A_43, %dma_start3A_44, %dma_start3A_45] : memref<2x128x128xi32, #tpu.memory_space<vmem>> -> memref<1x128x128xi32, #tpu.memory_space<vmem>>
    %dma_start3A_47 = tpu.memref_squeeze %dma_start3A_46 : memref<1x128x128xi32, #tpu.memory_space<vmem>> -> memref<128x128xi32, #tpu.memory_space<vmem>>
    %dma_start3A_48 = arith.constant 0 : i32
    %dma_start3A_49 = tpu.memref_slice %arg8[%dma_start3A_41, %dma_start3A_42, %dma_start3A_48] : memref<1x2x128xi32, #tpu.memory_space<vmem>> -> memref<1x1x128xi32, #tpu.memory_space<vmem>>
    %dma_start3A_50 = tpu.memref_squeeze %dma_start3A_49 : memref<1x1x128xi32, #tpu.memory_space<vmem>> -> memref<128xi32, #tpu.memory_space<vmem>>
    %dma_start3A_51 = arith.constant 0 : i32
    %dma_start3A_52 = arith.constant 0 : i32
    %dma_start3A_53 = tpu.memref_slice %arg4[%dma_start3A_51, %dma_start3A_52] : memref<50000x128xi32, #tpu.memory_space<hbm>> -> memref<50000x128xi32, #tpu.memory_space<hbm>>
    tpu.enqueue_indirect_dma source(%dma_start3A_53 : memref<50000x128xi32, #tpu.memory_space<hbm>>) target(%dma_start3A_47 : memref<128x128xi32, #tpu.memory_space<vmem>>) offsets(%dma_start3A_50 : memref<128xi32, #tpu.memory_space<vmem>>) semaphore(%arg11 : memref<!tpu.dma_semaphore, #tpu.memory_space<semaphore_mem>>)
    %dma_wait3A = arith.constant 0 : i32
    %dma_wait3A_54 = arith.constant 0 : i32
    %dma_wait3A_55 = arith.constant 0 : i32
    %dma_wait3A_56 = arith.constant 0 : i32
    %dma_wait3A_57 = arith.constant 0 : i32
    %dma_wait3A_58 = tpu.memref_slice %arg9[%dma_wait3A_55, %dma_wait3A_56, %dma_wait3A_57] : memref<2x128x128xi32, #tpu.memory_space<vmem>> -> memref<1x128x128xi32, #tpu.memory_space<vmem>>
    %dma_wait3A_59 = tpu.memref_squeeze %dma_wait3A_58 : memref<1x128x128xi32, #tpu.memory_space<vmem>> -> memref<128x128xi32, #tpu.memory_space<vmem>>
    %dma_wait3A_60 = arith.constant 0 : i32
    %dma_wait3A_61 = tpu.memref_slice %arg7[%dma_wait3A, %dma_wait3A_54, %dma_wait3A_60] : memref<1x2x128xi32, #tpu.memory_space<vmem>> -> memref<1x1x128xi32, #tpu.memory_space<vmem>>
    %dma_wait3A_62 = tpu.memref_squeeze %dma_wait3A_61 : memref<1x1x128xi32, #tpu.memory_space<vmem>> -> memref<128xi32, #tpu.memory_space<vmem>>
    %dma_wait3A_63 = arith.constant 0 : i32
    %dma_wait3A_64 = arith.constant 0 : i32
    %dma_wait3A_65 = tpu.memref_slice %arg4[%dma_wait3A_63, %dma_wait3A_64] : memref<50000x128xi32, #tpu.memory_space<hbm>> -> memref<50000x128xi32, #tpu.memory_space<hbm>>
    tpu.wait_indirect_dma semaphore(%arg11 : memref<!tpu.dma_semaphore, #tpu.memory_space<semaphore_mem>>) src(%dma_wait3A_65 : memref<50000x128xi32, #tpu.memory_space<hbm>>) dst(%dma_wait3A_59 : memref<128x128xi32, #tpu.memory_space<vmem>>)
    %dma_wait3A_66 = arith.constant 0 : i32
    %dma_wait3A_67 = arith.constant 0 : i32
    %dma_wait3A_68 = arith.constant 0 : i32
    %dma_wait3A_69 = arith.constant 0 : i32
    %dma_wait3A_70 = arith.constant 0 : i32
    %dma_wait3A_71 = tpu.memref_slice %arg10[%dma_wait3A_68, %dma_wait3A_69, %dma_wait3A_70] : memref<2x128x128xi32, #tpu.memory_space<vmem>> -> memref<1x128x128xi32, #tpu.memory_space<vmem>>
    %dma_wait3A_72 = tpu.memref_squeeze %dma_wait3A_71 : memref<1x128x128xi32, #tpu.memory_space<vmem>> -> memref<128x128xi32, #tpu.memory_space<vmem>>
    %dma_wait3A_73 = arith.constant 0 : i32
    %dma_wait3A_74 = tpu.memref_slice %arg8[%dma_wait3A_66, %dma_wait3A_67, %dma_wait3A_73] : memref<1x2x128xi32, #tpu.memory_space<vmem>> -> memref<1x1x128xi32, #tpu.memory_space<vmem>>
    %dma_wait3A_75 = tpu.memref_squeeze %dma_wait3A_74 : memref<1x1x128xi32, #tpu.memory_space<vmem>> -> memref<128xi32, #tpu.memory_space<vmem>>
    %dma_wait3A_76 = arith.constant 0 : i32
    %dma_wait3A_77 = arith.constant 0 : i32
    %dma_wait3A_78 = tpu.memref_slice %arg4[%dma_wait3A_76, %dma_wait3A_77] : memref<50000x128xi32, #tpu.memory_space<hbm>> -> memref<50000x128xi32, #tpu.memory_space<hbm>>
    tpu.wait_indirect_dma semaphore(%arg11 : memref<!tpu.dma_semaphore, #tpu.memory_space<semaphore_mem>>) src(%dma_wait3A_78 : memref<50000x128xi32, #tpu.memory_space<hbm>>) dst(%dma_wait3A_72 : memref<128x128xi32, #tpu.memory_space<vmem>>)
    %dma_wait3A_79 = arith.constant 0 : i32
    %dma_wait3A_80 = arith.constant 1 : i32
    %dma_wait3A_81 = arith.constant 1 : i32
    %dma_wait3A_82 = arith.constant 0 : i32
    %dma_wait3A_83 = arith.constant 0 : i32
    %dma_wait3A_84 = tpu.memref_slice %arg9[%dma_wait3A_81, %dma_wait3A_82, %dma_wait3A_83] : memref<2x128x128xi32, #tpu.memory_space<vmem>> -> memref<1x128x128xi32, #tpu.memory_space<vmem>>
    %dma_wait3A_85 = tpu.memref_squeeze %dma_wait3A_84 : memref<1x128x128xi32, #tpu.memory_space<vmem>> -> memref<128x128xi32, #tpu.memory_space<vmem>>
    %dma_wait3A_86 = arith.constant 0 : i32
    %dma_wait3A_87 = tpu.memref_slice %arg7[%dma_wait3A_79, %dma_wait3A_80, %dma_wait3A_86] : memref<1x2x128xi32, #tpu.memory_space<vmem>> -> memref<1x1x128xi32, #tpu.memory_space<vmem>>
    %dma_wait3A_88 = tpu.memref_squeeze %dma_wait3A_87 : memref<1x1x128xi32, #tpu.memory_space<vmem>> -> memref<128xi32, #tpu.memory_space<vmem>>
    %dma_wait3A_89 = arith.constant 0 : i32
    %dma_wait3A_90 = arith.constant 0 : i32
    %dma_wait3A_91 = tpu.memref_slice %arg4[%dma_wait3A_89, %dma_wait3A_90] : memref<50000x128xi32, #tpu.memory_space<hbm>> -> memref<50000x128xi32, #tpu.memory_space<hbm>>
    tpu.wait_indirect_dma semaphore(%arg11 : memref<!tpu.dma_semaphore, #tpu.memory_space<semaphore_mem>>) src(%dma_wait3A_91 : memref<50000x128xi32, #tpu.memory_space<hbm>>) dst(%dma_wait3A_85 : memref<128x128xi32, #tpu.memory_space<vmem>>)
    %dma_wait3A_92 = arith.constant 0 : i32
    %dma_wait3A_93 = arith.constant 1 : i32
    %dma_wait3A_94 = arith.constant 1 : i32
    %dma_wait3A_95 = arith.constant 0 : i32
    %dma_wait3A_96 = arith.constant 0 : i32
    %dma_wait3A_97 = tpu.memref_slice %arg10[%dma_wait3A_94, %dma_wait3A_95, %dma_wait3A_96] : memref<2x128x128xi32, #tpu.memory_space<vmem>> -> memref<1x128x128xi32, #tpu.memory_space<vmem>>
    %dma_wait3A_98 = tpu.memref_squeeze %dma_wait3A_97 : memref<1x128x128xi32, #tpu.memory_space<vmem>> -> memref<128x128xi32, #tpu.memory_space<vmem>>
    %dma_wait3A_99 = arith.constant 0 : i32
    %dma_wait3A_100 = tpu.memref_slice %arg8[%dma_wait3A_92, %dma_wait3A_93, %dma_wait3A_99] : memref<1x2x128xi32, #tpu.memory_space<vmem>> -> memref<1x1x128xi32, #tpu.memory_space<vmem>>
    %dma_wait3A_101 = tpu.memref_squeeze %dma_wait3A_100 : memref<1x1x128xi32, #tpu.memory_space<vmem>> -> memref<128xi32, #tpu.memory_space<vmem>>
    %dma_wait3A_102 = arith.constant 0 : i32
    %dma_wait3A_103 = arith.constant 0 : i32
    %dma_wait3A_104 = tpu.memref_slice %arg4[%dma_wait3A_102, %dma_wait3A_103] : memref<50000x128xi32, #tpu.memory_space<hbm>> -> memref<50000x128xi32, #tpu.memory_space<hbm>>
    tpu.wait_indirect_dma semaphore(%arg11 : memref<!tpu.dma_semaphore, #tpu.memory_space<semaphore_mem>>) src(%dma_wait3A_104 : memref<50000x128xi32, #tpu.memory_space<hbm>>) dst(%dma_wait3A_98 : memref<128x128xi32, #tpu.memory_space<vmem>>)
    %add3A_105 = arith.constant 0 : i32
    %add3A_106 = arith.addi %mul3A_2, %add3A_105 : i32
    %dma_start3A_107 = arith.constant 0 : i32
    %dma_start3A_108 = arith.constant 0 : i32
    %dma_start3A_109 = arith.constant 0 : i32
    %dma_start3A_110 = tpu.memref_slice %arg9[%dma_start3A_107, %dma_start3A_108, %dma_start3A_109] : memref<2x128x128xi32, #tpu.memory_space<vmem>> -> memref<1x128x128xi32, #tpu.memory_space<vmem>>
    %dma_start3A_111 = tpu.memref_squeeze %dma_start3A_110 : memref<1x128x128xi32, #tpu.memory_space<vmem>> -> memref<128x128xi32, #tpu.memory_space<vmem>>
    %dma_start3A_112 = arith.constant 0 : i32
    %dma_start3A_113 = tpu.memref_slice %arg5[%add3A_106, %dma_start3A_112] : memref<8192x128xi32, #tpu.memory_space<hbm>> -> memref<128x128xi32, #tpu.memory_space<hbm>>
    %dma_start3A_114 = arith.constant 0 : i32
    %dma_start3A_115 = tpu.memref_slice %arg5[%add3A_106, %dma_start3A_114] : memref<8192x128xi32, #tpu.memory_space<hbm>> -> memref<128x128xi32, #tpu.memory_space<hbm>>
    %dma_start3A_116 = arith.constant 0 : i32
    %dma_start3A_117 = arith.constant 0 : i32
    %dma_start3A_118 = tpu.memref_slice %arg9[%dma_start3A_107, %dma_start3A_116, %dma_start3A_117] : memref<2x128x128xi32, #tpu.memory_space<vmem>> -> memref<1x128x128xi32, #tpu.memory_space<vmem>>
    %dma_start3A_119 = tpu.memref_squeeze %dma_start3A_118 : memref<1x128x128xi32, #tpu.memory_space<vmem>> -> memref<128x128xi32, #tpu.memory_space<vmem>>
    tpu.enqueue_dma source(%dma_start3A_119 : memref<128x128xi32, #tpu.memory_space<vmem>>) target(%dma_start3A_115 : memref<128x128xi32, #tpu.memory_space<hbm>>) target_semaphore(%arg12 : memref<!tpu.dma_semaphore, #tpu.memory_space<semaphore_mem>>)
    %dma_start3A_120 = arith.constant 0 : i32
    %dma_start3A_121 = arith.constant 0 : i32
    %dma_start3A_122 = arith.constant 0 : i32
    %dma_start3A_123 = tpu.memref_slice %arg10[%dma_start3A_120, %dma_start3A_121, %dma_start3A_122] : memref<2x128x128xi32, #tpu.memory_space<vmem>> -> memref<1x128x128xi32, #tpu.memory_space<vmem>>
    %dma_start3A_124 = tpu.memref_squeeze %dma_start3A_123 : memref<1x128x128xi32, #tpu.memory_space<vmem>> -> memref<128x128xi32, #tpu.memory_space<vmem>>
    %dma_start3A_125 = arith.constant 0 : i32
    %dma_start3A_126 = tpu.memref_slice %arg6[%add3A_106, %dma_start3A_125] : memref<8192x128xi32, #tpu.memory_space<hbm>> -> memref<128x128xi32, #tpu.memory_space<hbm>>
    %dma_start3A_127 = arith.constant 0 : i32
    %dma_start3A_128 = tpu.memref_slice %arg6[%add3A_106, %dma_start3A_127] : memref<8192x128xi32, #tpu.memory_space<hbm>> -> memref<128x128xi32, #tpu.memory_space<hbm>>
    %dma_start3A_129 = arith.constant 0 : i32
    %dma_start3A_130 = arith.constant 0 : i32
    %dma_start3A_131 = tpu.memref_slice %arg10[%dma_start3A_120, %dma_start3A_129, %dma_start3A_130] : memref<2x128x128xi32, #tpu.memory_space<vmem>> -> memref<1x128x128xi32, #tpu.memory_space<vmem>>
    %dma_start3A_132 = tpu.memref_squeeze %dma_start3A_131 : memref<1x128x128xi32, #tpu.memory_space<vmem>> -> memref<128x128xi32, #tpu.memory_space<vmem>>
    tpu.enqueue_dma source(%dma_start3A_132 : memref<128x128xi32, #tpu.memory_space<vmem>>) target(%dma_start3A_128 : memref<128x128xi32, #tpu.memory_space<hbm>>) target_semaphore(%arg12 : memref<!tpu.dma_semaphore, #tpu.memory_space<semaphore_mem>>)
    %add3A_133 = arith.constant 128 : i32
    %add3A_134 = arith.addi %mul3A_2, %add3A_133 : i32
    %dma_start3A_135 = arith.constant 1 : i32
    %dma_start3A_136 = arith.constant 0 : i32
    %dma_start3A_137 = arith.constant 0 : i32
    %dma_start3A_138 = tpu.memref_slice %arg9[%dma_start3A_135, %dma_start3A_136, %dma_start3A_137] : memref<2x128x128xi32, #tpu.memory_space<vmem>> -> memref<1x128x128xi32, #tpu.memory_space<vmem>>
    %dma_start3A_139 = tpu.memref_squeeze %dma_start3A_138 : memref<1x128x128xi32, #tpu.memory_space<vmem>> -> memref<128x128xi32, #tpu.memory_space<vmem>>
    %dma_start3A_140 = arith.constant 0 : i32
    %dma_start3A_141 = tpu.memref_slice %arg5[%add3A_134, %dma_start3A_140] : memref<8192x128xi32, #tpu.memory_space<hbm>> -> memref<128x128xi32, #tpu.memory_space<hbm>>
    %dma_start3A_142 = arith.constant 0 : i32
    %dma_start3A_143 = tpu.memref_slice %arg5[%add3A_134, %dma_start3A_142] : memref<8192x128xi32, #tpu.memory_space<hbm>> -> memref<128x128xi32, #tpu.memory_space<hbm>>
    %dma_start3A_144 = arith.constant 0 : i32
    %dma_start3A_145 = arith.constant 0 : i32
    %dma_start3A_146 = tpu.memref_slice %arg9[%dma_start3A_135, %dma_start3A_144, %dma_start3A_145] : memref<2x128x128xi32, #tpu.memory_space<vmem>> -> memref<1x128x128xi32, #tpu.memory_space<vmem>>
    %dma_start3A_147 = tpu.memref_squeeze %dma_start3A_146 : memref<1x128x128xi32, #tpu.memory_space<vmem>> -> memref<128x128xi32, #tpu.memory_space<vmem>>
    tpu.enqueue_dma source(%dma_start3A_147 : memref<128x128xi32, #tpu.memory_space<vmem>>) target(%dma_start3A_143 : memref<128x128xi32, #tpu.memory_space<hbm>>) target_semaphore(%arg12 : memref<!tpu.dma_semaphore, #tpu.memory_space<semaphore_mem>>)
    %dma_start3A_148 = arith.constant 1 : i32
    %dma_start3A_149 = arith.constant 0 : i32
    %dma_start3A_150 = arith.constant 0 : i32
    %dma_start3A_151 = tpu.memref_slice %arg10[%dma_start3A_148, %dma_start3A_149, %dma_start3A_150] : memref<2x128x128xi32, #tpu.memory_space<vmem>> -> memref<1x128x128xi32, #tpu.memory_space<vmem>>
    %dma_start3A_152 = tpu.memref_squeeze %dma_start3A_151 : memref<1x128x128xi32, #tpu.memory_space<vmem>> -> memref<128x128xi32, #tpu.memory_space<vmem>>
    %dma_start3A_153 = arith.constant 0 : i32
    %dma_start3A_154 = tpu.memref_slice %arg6[%add3A_134, %dma_start3A_153] : memref<8192x128xi32, #tpu.memory_space<hbm>> -> memref<128x128xi32, #tpu.memory_space<hbm>>
    %dma_start3A_155 = arith.constant 0 : i32
    %dma_start3A_156 = tpu.memref_slice %arg6[%add3A_134, %dma_start3A_155] : memref<8192x128xi32, #tpu.memory_space<hbm>> -> memref<128x128xi32, #tpu.memory_space<hbm>>
    %dma_start3A_157 = arith.constant 0 : i32
    %dma_start3A_158 = arith.constant 0 : i32
    %dma_start3A_159 = tpu.memref_slice %arg10[%dma_start3A_148, %dma_start3A_157, %dma_start3A_158] : memref<2x128x128xi32, #tpu.memory_space<vmem>> -> memref<1x128x128xi32, #tpu.memory_space<vmem>>
    %dma_start3A_160 = tpu.memref_squeeze %dma_start3A_159 : memref<1x128x128xi32, #tpu.memory_space<vmem>> -> memref<128x128xi32, #tpu.memory_space<vmem>>
    tpu.enqueue_dma source(%dma_start3A_160 : memref<128x128xi32, #tpu.memory_space<vmem>>) target(%dma_start3A_156 : memref<128x128xi32, #tpu.memory_space<hbm>>) target_semaphore(%arg12 : memref<!tpu.dma_semaphore, #tpu.memory_space<semaphore_mem>>)
    %dma_wait3A_161 = arith.constant 0 : i32
    %dma_wait3A_162 = arith.constant 0 : i32
    %dma_wait3A_163 = arith.constant 0 : i32
    %dma_wait3A_164 = tpu.memref_slice %arg9[%dma_wait3A_161, %dma_wait3A_162, %dma_wait3A_163] : memref<2x128x128xi32, #tpu.memory_space<vmem>> -> memref<1x128x128xi32, #tpu.memory_space<vmem>>
    %dma_wait3A_165 = tpu.memref_squeeze %dma_wait3A_164 : memref<1x128x128xi32, #tpu.memory_space<vmem>> -> memref<128x128xi32, #tpu.memory_space<vmem>>
    %dma_wait3A_166 = arith.constant 0 : i32
    %dma_wait3A_167 = tpu.memref_slice %arg5[%add3A_106, %dma_wait3A_166] : memref<8192x128xi32, #tpu.memory_space<hbm>> -> memref<128x128xi32, #tpu.memory_space<hbm>>
    %dma_wait3A_168 = arith.constant 0 : i32
    %dma_wait3A_169 = tpu.memref_slice %arg5[%add3A_106, %dma_wait3A_168] : memref<8192x128xi32, #tpu.memory_space<hbm>> -> memref<128x128xi32, #tpu.memory_space<hbm>>
    %dma_wait3A_170 = arith.constant 0 : i32
    %dma_wait3A_171 = arith.constant 0 : i32
    %dma_wait3A_172 = tpu.memref_slice %arg9[%dma_wait3A_161, %dma_wait3A_170, %dma_wait3A_171] : memref<2x128x128xi32, #tpu.memory_space<vmem>> -> memref<1x128x128xi32, #tpu.memory_space<vmem>>
    %dma_wait3A_173 = tpu.memref_squeeze %dma_wait3A_172 : memref<1x128x128xi32, #tpu.memory_space<vmem>> -> memref<128x128xi32, #tpu.memory_space<vmem>>
    tpu.wait_dma2 semaphore(%arg12 : memref<!tpu.dma_semaphore, #tpu.memory_space<semaphore_mem>>) src(%dma_wait3A_173 : memref<128x128xi32, #tpu.memory_space<vmem>>) dst(%dma_wait3A_169 : memref<128x128xi32, #tpu.memory_space<hbm>>)
    %dma_wait3A_174 = arith.constant 0 : i32
    %dma_wait3A_175 = arith.constant 0 : i32
    %dma_wait3A_176 = arith.constant 0 : i32
    %dma_wait3A_177 = tpu.memref_slice %arg10[%dma_wait3A_174, %dma_wait3A_175, %dma_wait3A_176] : memref<2x128x128xi32, #tpu.memory_space<vmem>> -> memref<1x128x128xi32, #tpu.memory_space<vmem>>
    %dma_wait3A_178 = tpu.memref_squeeze %dma_wait3A_177 : memref<1x128x128xi32, #tpu.memory_space<vmem>> -> memref<128x128xi32, #tpu.memory_space<vmem>>
    %dma_wait3A_179 = arith.constant 0 : i32
    %dma_wait3A_180 = tpu.memref_slice %arg6[%add3A_106, %dma_wait3A_179] : memref<8192x128xi32, #tpu.memory_space<hbm>> -> memref<128x128xi32, #tpu.memory_space<hbm>>
    %dma_wait3A_181 = arith.constant 0 : i32
    %dma_wait3A_182 = tpu.memref_slice %arg6[%add3A_106, %dma_wait3A_181] : memref<8192x128xi32, #tpu.memory_space<hbm>> -> memref<128x128xi32, #tpu.memory_space<hbm>>
    %dma_wait3A_183 = arith.constant 0 : i32
    %dma_wait3A_184 = arith.constant 0 : i32
    %dma_wait3A_185 = tpu.memref_slice %arg10[%dma_wait3A_174, %dma_wait3A_183, %dma_wait3A_184] : memref<2x128x128xi32, #tpu.memory_space<vmem>> -> memref<1x128x128xi32, #tpu.memory_space<vmem>>
    %dma_wait3A_186 = tpu.memref_squeeze %dma_wait3A_185 : memref<1x128x128xi32, #tpu.memory_space<vmem>> -> memref<128x128xi32, #tpu.memory_space<vmem>>
    tpu.wait_dma2 semaphore(%arg12 : memref<!tpu.dma_semaphore, #tpu.memory_space<semaphore_mem>>) src(%dma_wait3A_186 : memref<128x128xi32, #tpu.memory_space<vmem>>) dst(%dma_wait3A_182 : memref<128x128xi32, #tpu.memory_space<hbm>>)
    %dma_wait3A_187 = arith.constant 1 : i32
    %dma_wait3A_188 = arith.constant 0 : i32
    %dma_wait3A_189 = arith.constant 0 : i32
    %dma_wait3A_190 = tpu.memref_slice %arg9[%dma_wait3A_187, %dma_wait3A_188, %dma_wait3A_189] : memref<2x128x128xi32, #tpu.memory_space<vmem>> -> memref<1x128x128xi32, #tpu.memory_space<vmem>>
    %dma_wait3A_191 = tpu.memref_squeeze %dma_wait3A_190 : memref<1x128x128xi32, #tpu.memory_space<vmem>> -> memref<128x128xi32, #tpu.memory_space<vmem>>
    %dma_wait3A_192 = arith.constant 0 : i32
    %dma_wait3A_193 = tpu.memref_slice %arg5[%add3A_134, %dma_wait3A_192] : memref<8192x128xi32, #tpu.memory_space<hbm>> -> memref<128x128xi32, #tpu.memory_space<hbm>>
    %dma_wait3A_194 = arith.constant 0 : i32
    %dma_wait3A_195 = tpu.memref_slice %arg5[%add3A_134, %dma_wait3A_194] : memref<8192x128xi32, #tpu.memory_space<hbm>> -> memref<128x128xi32, #tpu.memory_space<hbm>>
    %dma_wait3A_196 = arith.constant 0 : i32
    %dma_wait3A_197 = arith.constant 0 : i32
    %dma_wait3A_198 = tpu.memref_slice %arg9[%dma_wait3A_187, %dma_wait3A_196, %dma_wait3A_197] : memref<2x128x128xi32, #tpu.memory_space<vmem>> -> memref<1x128x128xi32, #tpu.memory_space<vmem>>
    %dma_wait3A_199 = tpu.memref_squeeze %dma_wait3A_198 : memref<1x128x128xi32, #tpu.memory_space<vmem>> -> memref<128x128xi32, #tpu.memory_space<vmem>>
    tpu.wait_dma2 semaphore(%arg12 : memref<!tpu.dma_semaphore, #tpu.memory_space<semaphore_mem>>) src(%dma_wait3A_199 : memref<128x128xi32, #tpu.memory_space<vmem>>) dst(%dma_wait3A_195 : memref<128x128xi32, #tpu.memory_space<hbm>>)
    %dma_wait3A_200 = arith.constant 1 : i32
    %dma_wait3A_201 = arith.constant 0 : i32
    %dma_wait3A_202 = arith.constant 0 : i32
    %dma_wait3A_203 = tpu.memref_slice %arg10[%dma_wait3A_200, %dma_wait3A_201, %dma_wait3A_202] : memref<2x128x128xi32, #tpu.memory_space<vmem>> -> memref<1x128x128xi32, #tpu.memory_space<vmem>>
    %dma_wait3A_204 = tpu.memref_squeeze %dma_wait3A_203 : memref<1x128x128xi32, #tpu.memory_space<vmem>> -> memref<128x128xi32, #tpu.memory_space<vmem>>
    %dma_wait3A_205 = arith.constant 0 : i32
    %dma_wait3A_206 = tpu.memref_slice %arg6[%add3A_134, %dma_wait3A_205] : memref<8192x128xi32, #tpu.memory_space<hbm>> -> memref<128x128xi32, #tpu.memory_space<hbm>>
    %dma_wait3A_207 = arith.constant 0 : i32
    %dma_wait3A_208 = tpu.memref_slice %arg6[%add3A_134, %dma_wait3A_207] : memref<8192x128xi32, #tpu.memory_space<hbm>> -> memref<128x128xi32, #tpu.memory_space<hbm>>
    %dma_wait3A_209 = arith.constant 0 : i32
    %dma_wait3A_210 = arith.constant 0 : i32
    %dma_wait3A_211 = tpu.memref_slice %arg10[%dma_wait3A_200, %dma_wait3A_209, %dma_wait3A_210] : memref<2x128x128xi32, #tpu.memory_space<vmem>> -> memref<1x128x128xi32, #tpu.memory_space<vmem>>
    %dma_wait3A_212 = tpu.memref_squeeze %dma_wait3A_211 : memref<1x128x128xi32, #tpu.memory_space<vmem>> -> memref<128x128xi32, #tpu.memory_space<vmem>>
    tpu.wait_dma2 semaphore(%arg12 : memref<!tpu.dma_semaphore, #tpu.memory_space<semaphore_mem>>) src(%dma_wait3A_212 : memref<128x128xi32, #tpu.memory_space<vmem>>) dst(%dma_wait3A_208 : memref<128x128xi32, #tpu.memory_space<hbm>>)
    return
  }
}

#map = affine_map<(d0, d1) -> (0, 0, 0, 0)>
#map1 = affine_map<(d0, d1) -> (0, 0)>
module attributes {stable_mosaic.version = 14 : i64} {
  func.func @k(%arg0: i32, %arg1: i32, %arg2: memref<32x1x2x128xi32, #tpu.memory_space<hbm>>, %arg3: memref<32x1x2x128xi32, #tpu.memory_space<hbm>>, %arg4: memref<50000x128xi32, #tpu.memory_space<hbm>>, %arg5: memref<8192x128xi32, #tpu.memory_space<hbm>>, %arg6: memref<8192x128xi32, #tpu.memory_space<hbm>>, %arg7: memref<1x2x128xi32, #tpu.memory_space<vmem>>, %arg8: memref<1x2x128xi32, #tpu.memory_space<vmem>>, %arg9: memref<2x128x128xi32, #tpu.memory_space<vmem>>, %arg10: memref<2x128x128xi32, #tpu.memory_space<vmem>>, %arg11: memref<!tpu.dma_semaphore, #tpu.memory_space<semaphore_mem>>, %arg12: memref<!tpu.dma_semaphore, #tpu.memory_space<semaphore_mem>>) attributes {dimension_semantics = [#tpu.dimension_semantics<core_parallel>, #tpu.dimension_semantics<subcore_parallel>], iteration_bounds = array<i64: 2, 16>, scalar_prefetch = 0 : i64, scratch_operands = 6 : i64, tpu.core_type = #tpu.core_type<sc_vector_subcore>, window_params = [{transform_indices = #map}, {transform_indices = #map}, {transform_indices = #map1}, {transform_indices = #map1}, {transform_indices = #map1}]} {
    %mul3A = arith.constant 2 : i32
    %mul3A_0 = arith.muli %arg1, %mul3A : i32
    %add3A = arith.addi %mul3A_0, %arg0 : i32
    %mul3A_1 = arith.constant 256 : i32
    %mul3A_2 = arith.muli %add3A, %mul3A_1 : i32
    "tpu.region"() ({
      %run_scoped3A = tpu.sem_alloc : memref<!tpu.dma_semaphore, #tpu.memory_space<semaphore_mem>>
      %dma_start3A_213 = arith.constant 0 : i32
      %dma_start3A_214 = arith.constant 0 : i32
      %dma_start3A_215 = arith.constant 0 : i32
      %dma_start3A_216 = tpu.memref_slice %arg2[%add3A, %dma_start3A_213, %dma_start3A_214, %dma_start3A_215] : memref<32x1x2x128xi32, #tpu.memory_space<hbm>> -> memref<1x1x2x128xi32, #tpu.memory_space<hbm>>
      %dma_start3A_217 = tpu.memref_squeeze %dma_start3A_216 : memref<1x1x2x128xi32, #tpu.memory_space<hbm>> -> memref<1x2x128xi32, #tpu.memory_space<hbm>>
      %dma_start3A_218 = arith.constant 0 : i32
      %dma_start3A_219 = arith.constant 0 : i32
      %dma_start3A_220 = arith.constant 0 : i32
      %dma_start3A_221 = tpu.memref_slice %arg2[%add3A, %dma_start3A_218, %dma_start3A_219, %dma_start3A_220] : memref<32x1x2x128xi32, #tpu.memory_space<hbm>> -> memref<1x1x2x128xi32, #tpu.memory_space<hbm>>
      %dma_start3A_222 = tpu.memref_squeeze %dma_start3A_221 : memref<1x1x2x128xi32, #tpu.memory_space<hbm>> -> memref<1x2x128xi32, #tpu.memory_space<hbm>>
      tpu.enqueue_dma source(%dma_start3A_222 : memref<1x2x128xi32, #tpu.memory_space<hbm>>) target(%arg7 : memref<1x2x128xi32, #tpu.memory_space<vmem>>) target_semaphore(%run_scoped3A : memref<!tpu.dma_semaphore, #tpu.memory_space<semaphore_mem>>)
      %dma_wait3A_223 = arith.constant 0 : i32
      %dma_wait3A_224 = arith.constant 0 : i32
      %dma_wait3A_225 = arith.constant 0 : i32
      %dma_wait3A_226 = tpu.memref_slice %arg2[%add3A, %dma_wait3A_223, %dma_wait3A_224, %dma_wait3A_225] : memref<32x1x2x128xi32, #tpu.memory_space<hbm>> -> memref<1x1x2x128xi32, #tpu.memory_space<hbm>>
      %dma_wait3A_227 = tpu.memref_squeeze %dma_wait3A_226 : memref<1x1x2x128xi32, #tpu.memory_space<hbm>> -> memref<1x2x128xi32, #tpu.memory_space<hbm>>
      %dma_wait3A_228 = arith.constant 0 : i32
      %dma_wait3A_229 = arith.constant 0 : i32
      %dma_wait3A_230 = arith.constant 0 : i32
      %dma_wait3A_231 = tpu.memref_slice %arg2[%add3A, %dma_wait3A_228, %dma_wait3A_229, %dma_wait3A_230] : memref<32x1x2x128xi32, #tpu.memory_space<hbm>> -> memref<1x1x2x128xi32, #tpu.memory_space<hbm>>
      %dma_wait3A_232 = tpu.memref_squeeze %dma_wait3A_231 : memref<1x1x2x128xi32, #tpu.memory_space<hbm>> -> memref<1x2x128xi32, #tpu.memory_space<hbm>>
      tpu.wait_dma2 semaphore(%run_scoped3A : memref<!tpu.dma_semaphore, #tpu.memory_space<semaphore_mem>>) src(%dma_wait3A_232 : memref<1x2x128xi32, #tpu.memory_space<hbm>>) dst(%arg7 : memref<1x2x128xi32, #tpu.memory_space<vmem>>)
      tpu.yield
    }) : () -> ()
    "tpu.region"() ({
      %run_scoped3A = tpu.sem_alloc : memref<!tpu.dma_semaphore, #tpu.memory_space<semaphore_mem>>
      %dma_start3A_213 = arith.constant 0 : i32
      %dma_start3A_214 = arith.constant 0 : i32
      %dma_start3A_215 = arith.constant 0 : i32
      %dma_start3A_216 = tpu.memref_slice %arg3[%add3A, %dma_start3A_213, %dma_start3A_214, %dma_start3A_215] : memref<32x1x2x128xi32, #tpu.memory_space<hbm>> -> memref<1x1x2x128xi32, #tpu.memory_space<hbm>>
      %dma_start3A_217 = tpu.memref_squeeze %dma_start3A_216 : memref<1x1x2x128xi32, #tpu.memory_space<hbm>> -> memref<1x2x128xi32, #tpu.memory_space<hbm>>
      %dma_start3A_218 = arith.constant 0 : i32
      %dma_start3A_219 = arith.constant 0 : i32
      %dma_start3A_220 = arith.constant 0 : i32
      %dma_start3A_221 = tpu.memref_slice %arg3[%add3A, %dma_start3A_218, %dma_start3A_219, %dma_start3A_220] : memref<32x1x2x128xi32, #tpu.memory_space<hbm>> -> memref<1x1x2x128xi32, #tpu.memory_space<hbm>>
      %dma_start3A_222 = tpu.memref_squeeze %dma_start3A_221 : memref<1x1x2x128xi32, #tpu.memory_space<hbm>> -> memref<1x2x128xi32, #tpu.memory_space<hbm>>
      tpu.enqueue_dma source(%dma_start3A_222 : memref<1x2x128xi32, #tpu.memory_space<hbm>>) target(%arg8 : memref<1x2x128xi32, #tpu.memory_space<vmem>>) target_semaphore(%run_scoped3A : memref<!tpu.dma_semaphore, #tpu.memory_space<semaphore_mem>>)
      %dma_wait3A_223 = arith.constant 0 : i32
      %dma_wait3A_224 = arith.constant 0 : i32
      %dma_wait3A_225 = arith.constant 0 : i32
      %dma_wait3A_226 = tpu.memref_slice %arg3[%add3A, %dma_wait3A_223, %dma_wait3A_224, %dma_wait3A_225] : memref<32x1x2x128xi32, #tpu.memory_space<hbm>> -> memref<1x1x2x128xi32, #tpu.memory_space<hbm>>
      %dma_wait3A_227 = tpu.memref_squeeze %dma_wait3A_226 : memref<1x1x2x128xi32, #tpu.memory_space<hbm>> -> memref<1x2x128xi32, #tpu.memory_space<hbm>>
      %dma_wait3A_228 = arith.constant 0 : i32
      %dma_wait3A_229 = arith.constant 0 : i32
      %dma_wait3A_230 = arith.constant 0 : i32
      %dma_wait3A_231 = tpu.memref_slice %arg3[%add3A, %dma_wait3A_228, %dma_wait3A_229, %dma_wait3A_230] : memref<32x1x2x128xi32, #tpu.memory_space<hbm>> -> memref<1x1x2x128xi32, #tpu.memory_space<hbm>>
      %dma_wait3A_232 = tpu.memref_squeeze %dma_wait3A_231 : memref<1x1x2x128xi32, #tpu.memory_space<hbm>> -> memref<1x2x128xi32, #tpu.memory_space<hbm>>
      tpu.wait_dma2 semaphore(%run_scoped3A : memref<!tpu.dma_semaphore, #tpu.memory_space<semaphore_mem>>) src(%dma_wait3A_232 : memref<1x2x128xi32, #tpu.memory_space<hbm>>) dst(%arg8 : memref<1x2x128xi32, #tpu.memory_space<vmem>>)
      tpu.yield
    }) : () -> ()
    %dma_start3A = arith.constant 0 : i32
    %dma_start3A_3 = arith.constant 0 : i32
    %dma_start3A_4 = arith.constant 0 : i32
    %dma_start3A_5 = arith.constant 0 : i32
    %dma_start3A_6 = arith.constant 0 : i32
    %dma_start3A_7 = tpu.memref_slice %arg9[%dma_start3A_4, %dma_start3A_5, %dma_start3A_6] : memref<2x128x128xi32, #tpu.memory_space<vmem>> -> memref<1x128x128xi32, #tpu.memory_space<vmem>>
    %dma_start3A_8 = tpu.memref_squeeze %dma_start3A_7 : memref<1x128x128xi32, #tpu.memory_space<vmem>> -> memref<128x128xi32, #tpu.memory_space<vmem>>
    %dma_start3A_9 = arith.constant 0 : i32
    %dma_start3A_10 = tpu.memref_slice %arg7[%dma_start3A, %dma_start3A_3, %dma_start3A_9] : memref<1x2x128xi32, #tpu.memory_space<vmem>> -> memref<1x1x128xi32, #tpu.memory_space<vmem>>
    %dma_start3A_11 = tpu.memref_squeeze %dma_start3A_10 : memref<1x1x128xi32, #tpu.memory_space<vmem>> -> memref<128xi32, #tpu.memory_space<vmem>>
    %dma_start3A_12 = arith.constant 0 : i32
    %dma_start3A_13 = arith.constant 0 : i32
    %dma_start3A_14 = tpu.memref_slice %arg4[%dma_start3A_12, %dma_start3A_13] : memref<50000x128xi32, #tpu.memory_space<hbm>> -> memref<50000x128xi32, #tpu.memory_space<hbm>>
    tpu.enqueue_indirect_dma source(%dma_start3A_14 : memref<50000x128xi32, #tpu.memory_space<hbm>>) target(%dma_start3A_8 : memref<128x128xi32, #tpu.memory_space<vmem>>) offsets(%dma_start3A_11 : memref<128xi32, #tpu.memory_space<vmem>>) semaphore(%arg11 : memref<!tpu.dma_semaphore, #tpu.memory_space<semaphore_mem>>)
    %dma_start3A_15 = arith.constant 0 : i32
    %dma_start3A_16 = arith.constant 0 : i32
    %dma_start3A_17 = arith.constant 0 : i32
    %dma_start3A_18 = arith.constant 0 : i32
    %dma_start3A_19 = arith.constant 0 : i32
    %dma_start3A_20 = tpu.memref_slice %arg10[%dma_start3A_17, %dma_start3A_18, %dma_start3A_19] : memref<2x128x128xi32, #tpu.memory_space<vmem>> -> memref<1x128x128xi32, #tpu.memory_space<vmem>>
    %dma_start3A_21 = tpu.memref_squeeze %dma_start3A_20 : memref<1x128x128xi32, #tpu.memory_space<vmem>> -> memref<128x128xi32, #tpu.memory_space<vmem>>
    %dma_start3A_22 = arith.constant 0 : i32
    %dma_start3A_23 = tpu.memref_slice %arg8[%dma_start3A_15, %dma_start3A_16, %dma_start3A_22] : memref<1x2x128xi32, #tpu.memory_space<vmem>> -> memref<1x1x128xi32, #tpu.memory_space<vmem>>
    %dma_start3A_24 = tpu.memref_squeeze %dma_start3A_23 : memref<1x1x128xi32, #tpu.memory_space<vmem>> -> memref<128xi32, #tpu.memory_space<vmem>>
    %dma_start3A_25 = arith.constant 0 : i32
    %dma_start3A_26 = arith.constant 0 : i32
    %dma_start3A_27 = tpu.memref_slice %arg4[%dma_start3A_25, %dma_start3A_26] : memref<50000x128xi32, #tpu.memory_space<hbm>> -> memref<50000x128xi32, #tpu.memory_space<hbm>>
    tpu.enqueue_indirect_dma source(%dma_start3A_27 : memref<50000x128xi32, #tpu.memory_space<hbm>>) target(%dma_start3A_21 : memref<128x128xi32, #tpu.memory_space<vmem>>) offsets(%dma_start3A_24 : memref<128xi32, #tpu.memory_space<vmem>>) semaphore(%arg11 : memref<!tpu.dma_semaphore, #tpu.memory_space<semaphore_mem>>)
    %dma_start3A_28 = arith.constant 0 : i32
    %dma_start3A_29 = arith.constant 1 : i32
    %dma_start3A_30 = arith.constant 1 : i32
    %dma_start3A_31 = arith.constant 0 : i32
    %dma_start3A_32 = arith.constant 0 : i32
    %dma_start3A_33 = tpu.memref_slice %arg9[%dma_start3A_30, %dma_start3A_31, %dma_start3A_32] : memref<2x128x128xi32, #tpu.memory_space<vmem>> -> memref<1x128x128xi32, #tpu.memory_space<vmem>>
    %dma_start3A_34 = tpu.memref_squeeze %dma_start3A_33 : memref<1x128x128xi32, #tpu.memory_space<vmem>> -> memref<128x128xi32, #tpu.memory_space<vmem>>
    %dma_start3A_35 = arith.constant 0 : i32
    %dma_start3A_36 = tpu.memref_slice %arg7[%dma_start3A_28, %dma_start3A_29, %dma_start3A_35] : memref<1x2x128xi32, #tpu.memory_space<vmem>> -> memref<1x1x128xi32, #tpu.memory_space<vmem>>
    %dma_start3A_37 = tpu.memref_squeeze %dma_start3A_36 : memref<1x1x128xi32, #tpu.memory_space<vmem>> -> memref<128xi32, #tpu.memory_space<vmem>>
    %dma_start3A_38 = arith.constant 0 : i32
    %dma_start3A_39 = arith.constant 0 : i32
    %dma_start3A_40 = tpu.memref_slice %arg4[%dma_start3A_38, %dma_start3A_39] : memref<50000x128xi32, #tpu.memory_space<hbm>> -> memref<50000x128xi32, #tpu.memory_space<hbm>>
    tpu.enqueue_indirect_dma source(%dma_start3A_40 : memref<50000x128xi32, #tpu.memory_space<hbm>>) target(%dma_start3A_34 : memref<128x128xi32, #tpu.memory_space<vmem>>) offsets(%dma_start3A_37 : memref<128xi32, #tpu.memory_space<vmem>>) semaphore(%arg11 : memref<!tpu.dma_semaphore, #tpu.memory_space<semaphore_mem>>)
    %dma_start3A_41 = arith.constant 0 : i32
    %dma_start3A_42 = arith.constant 1 : i32
    %dma_start3A_43 = arith.constant 1 : i32
    %dma_start3A_44 = arith.constant 0 : i32
    %dma_start3A_45 = arith.constant 0 : i32
    %dma_start3A_46 = tpu.memref_slice %arg10[%dma_start3A_43, %dma_start3A_44, %dma_start3A_45] : memref<2x128x128xi32, #tpu.memory_space<vmem>> -> memref<1x128x128xi32, #tpu.memory_space<vmem>>
    %dma_start3A_47 = tpu.memref_squeeze %dma_start3A_46 : memref<1x128x128xi32, #tpu.memory_space<vmem>> -> memref<128x128xi32, #tpu.memory_space<vmem>>
    %dma_start3A_48 = arith.constant 0 : i32
    %dma_start3A_49 = tpu.memref_slice %arg8[%dma_start3A_41, %dma_start3A_42, %dma_start3A_48] : memref<1x2x128xi32, #tpu.memory_space<vmem>> -> memref<1x1x128xi32, #tpu.memory_space<vmem>>
    %dma_start3A_50 = tpu.memref_squeeze %dma_start3A_49 : memref<1x1x128xi32, #tpu.memory_space<vmem>> -> memref<128xi32, #tpu.memory_space<vmem>>
    %dma_start3A_51 = arith.constant 0 : i32
    %dma_start3A_52 = arith.constant 0 : i32
    %dma_start3A_53 = tpu.memref_slice %arg4[%dma_start3A_51, %dma_start3A_52] : memref<50000x128xi32, #tpu.memory_space<hbm>> -> memref<50000x128xi32, #tpu.memory_space<hbm>>
    tpu.enqueue_indirect_dma source(%dma_start3A_53 : memref<50000x128xi32, #tpu.memory_space<hbm>>) target(%dma_start3A_47 : memref<128x128xi32, #tpu.memory_space<vmem>>) offsets(%dma_start3A_50 : memref<128xi32, #tpu.memory_space<vmem>>) semaphore(%arg11 : memref<!tpu.dma_semaphore, #tpu.memory_space<semaphore_mem>>)
    %dma_wait3A = arith.constant 0 : i32
    %dma_wait3A_54 = arith.constant 0 : i32
    %dma_wait3A_55 = arith.constant 0 : i32
    %dma_wait3A_56 = arith.constant 0 : i32
    %dma_wait3A_57 = arith.constant 0 : i32
    %dma_wait3A_58 = tpu.memref_slice %arg9[%dma_wait3A_55, %dma_wait3A_56, %dma_wait3A_57] : memref<2x128x128xi32, #tpu.memory_space<vmem>> -> memref<1x128x128xi32, #tpu.memory_space<vmem>>
    %dma_wait3A_59 = tpu.memref_squeeze %dma_wait3A_58 : memref<1x128x128xi32, #tpu.memory_space<vmem>> -> memref<128x128xi32, #tpu.memory_space<vmem>>
    %dma_wait3A_60 = arith.constant 0 : i32
    %dma_wait3A_61 = tpu.memref_slice %arg7[%dma_wait3A, %dma_wait3A_54, %dma_wait3A_60] : memref<1x2x128xi32, #tpu.memory_space<vmem>> -> memref<1x1x128xi32, #tpu.memory_space<vmem>>
    %dma_wait3A_62 = tpu.memref_squeeze %dma_wait3A_61 : memref<1x1x128xi32, #tpu.memory_space<vmem>> -> memref<128xi32, #tpu.memory_space<vmem>>
    %dma_wait3A_63 = arith.constant 0 : i32
    %dma_wait3A_64 = arith.constant 0 : i32
    %dma_wait3A_65 = tpu.memref_slice %arg4[%dma_wait3A_63, %dma_wait3A_64] : memref<50000x128xi32, #tpu.memory_space<hbm>> -> memref<50000x128xi32, #tpu.memory_space<hbm>>
    tpu.wait_indirect_dma semaphore(%arg11 : memref<!tpu.dma_semaphore, #tpu.memory_space<semaphore_mem>>) src(%dma_wait3A_65 : memref<50000x128xi32, #tpu.memory_space<hbm>>) dst(%dma_wait3A_59 : memref<128x128xi32, #tpu.memory_space<vmem>>)
    %dma_wait3A_66 = arith.constant 0 : i32
    %dma_wait3A_67 = arith.constant 0 : i32
    %dma_wait3A_68 = arith.constant 0 : i32
    %dma_wait3A_69 = arith.constant 0 : i32
    %dma_wait3A_70 = arith.constant 0 : i32
    %dma_wait3A_71 = tpu.memref_slice %arg10[%dma_wait3A_68, %dma_wait3A_69, %dma_wait3A_70] : memref<2x128x128xi32, #tpu.memory_space<vmem>> -> memref<1x128x128xi32, #tpu.memory_space<vmem>>
    %dma_wait3A_72 = tpu.memref_squeeze %dma_wait3A_71 : memref<1x128x128xi32, #tpu.memory_space<vmem>> -> memref<128x128xi32, #tpu.memory_space<vmem>>
    %dma_wait3A_73 = arith.constant 0 : i32
    %dma_wait3A_74 = tpu.memref_slice %arg8[%dma_wait3A_66, %dma_wait3A_67, %dma_wait3A_73] : memref<1x2x128xi32, #tpu.memory_space<vmem>> -> memref<1x1x128xi32, #tpu.memory_space<vmem>>
    %dma_wait3A_75 = tpu.memref_squeeze %dma_wait3A_74 : memref<1x1x128xi32, #tpu.memory_space<vmem>> -> memref<128xi32, #tpu.memory_space<vmem>>
    %dma_wait3A_76 = arith.constant 0 : i32
    %dma_wait3A_77 = arith.constant 0 : i32
    %dma_wait3A_78 = tpu.memref_slice %arg4[%dma_wait3A_76, %dma_wait3A_77] : memref<50000x128xi32, #tpu.memory_space<hbm>> -> memref<50000x128xi32, #tpu.memory_space<hbm>>
    tpu.wait_indirect_dma semaphore(%arg11 : memref<!tpu.dma_semaphore, #tpu.memory_space<semaphore_mem>>) src(%dma_wait3A_78 : memref<50000x128xi32, #tpu.memory_space<hbm>>) dst(%dma_wait3A_72 : memref<128x128xi32, #tpu.memory_space<vmem>>)
    %dma_wait3A_79 = arith.constant 0 : i32
    %dma_wait3A_80 = arith.constant 1 : i32
    %dma_wait3A_81 = arith.constant 1 : i32
    %dma_wait3A_82 = arith.constant 0 : i32
    %dma_wait3A_83 = arith.constant 0 : i32
    %dma_wait3A_84 = tpu.memref_slice %arg9[%dma_wait3A_81, %dma_wait3A_82, %dma_wait3A_83] : memref<2x128x128xi32, #tpu.memory_space<vmem>> -> memref<1x128x128xi32, #tpu.memory_space<vmem>>
    %dma_wait3A_85 = tpu.memref_squeeze %dma_wait3A_84 : memref<1x128x128xi32, #tpu.memory_space<vmem>> -> memref<128x128xi32, #tpu.memory_space<vmem>>
    %dma_wait3A_86 = arith.constant 0 : i32
    %dma_wait3A_87 = tpu.memref_slice %arg7[%dma_wait3A_79, %dma_wait3A_80, %dma_wait3A_86] : memref<1x2x128xi32, #tpu.memory_space<vmem>> -> memref<1x1x128xi32, #tpu.memory_space<vmem>>
    %dma_wait3A_88 = tpu.memref_squeeze %dma_wait3A_87 : memref<1x1x128xi32, #tpu.memory_space<vmem>> -> memref<128xi32, #tpu.memory_space<vmem>>
    %dma_wait3A_89 = arith.constant 0 : i32
    %dma_wait3A_90 = arith.constant 0 : i32
    %dma_wait3A_91 = tpu.memref_slice %arg4[%dma_wait3A_89, %dma_wait3A_90] : memref<50000x128xi32, #tpu.memory_space<hbm>> -> memref<50000x128xi32, #tpu.memory_space<hbm>>
    tpu.wait_indirect_dma semaphore(%arg11 : memref<!tpu.dma_semaphore, #tpu.memory_space<semaphore_mem>>) src(%dma_wait3A_91 : memref<50000x128xi32, #tpu.memory_space<hbm>>) dst(%dma_wait3A_85 : memref<128x128xi32, #tpu.memory_space<vmem>>)
    %dma_wait3A_92 = arith.constant 0 : i32
    %dma_wait3A_93 = arith.constant 1 : i32
    %dma_wait3A_94 = arith.constant 1 : i32
    %dma_wait3A_95 = arith.constant 0 : i32
    %dma_wait3A_96 = arith.constant 0 : i32
    %dma_wait3A_97 = tpu.memref_slice %arg10[%dma_wait3A_94, %dma_wait3A_95, %dma_wait3A_96] : memref<2x128x128xi32, #tpu.memory_space<vmem>> -> memref<1x128x128xi32, #tpu.memory_space<vmem>>
    %dma_wait3A_98 = tpu.memref_squeeze %dma_wait3A_97 : memref<1x128x128xi32, #tpu.memory_space<vmem>> -> memref<128x128xi32, #tpu.memory_space<vmem>>
    %dma_wait3A_99 = arith.constant 0 : i32
    %dma_wait3A_100 = tpu.memref_slice %arg8[%dma_wait3A_92, %dma_wait3A_93, %dma_wait3A_99] : memref<1x2x128xi32, #tpu.memory_space<vmem>> -> memref<1x1x128xi32, #tpu.memory_space<vmem>>
    %dma_wait3A_101 = tpu.memref_squeeze %dma_wait3A_100 : memref<1x1x128xi32, #tpu.memory_space<vmem>> -> memref<128xi32, #tpu.memory_space<vmem>>
    %dma_wait3A_102 = arith.constant 0 : i32
    %dma_wait3A_103 = arith.constant 0 : i32
    %dma_wait3A_104 = tpu.memref_slice %arg4[%dma_wait3A_102, %dma_wait3A_103] : memref<50000x128xi32, #tpu.memory_space<hbm>> -> memref<50000x128xi32, #tpu.memory_space<hbm>>
    tpu.wait_indirect_dma semaphore(%arg11 : memref<!tpu.dma_semaphore, #tpu.memory_space<semaphore_mem>>) src(%dma_wait3A_104 : memref<50000x128xi32, #tpu.memory_space<hbm>>) dst(%dma_wait3A_98 : memref<128x128xi32, #tpu.memory_space<vmem>>)
    %add3A_105 = arith.constant 0 : i32
    %add3A_106 = arith.addi %mul3A_2, %add3A_105 : i32
    %dma_start3A_107 = arith.constant 0 : i32
    %dma_start3A_108 = arith.constant 0 : i32
    %dma_start3A_109 = arith.constant 0 : i32
    %dma_start3A_110 = tpu.memref_slice %arg9[%dma_start3A_107, %dma_start3A_108, %dma_start3A_109] : memref<2x128x128xi32, #tpu.memory_space<vmem>> -> memref<1x128x128xi32, #tpu.memory_space<vmem>>
    %dma_start3A_111 = tpu.memref_squeeze %dma_start3A_110 : memref<1x128x128xi32, #tpu.memory_space<vmem>> -> memref<128x128xi32, #tpu.memory_space<vmem>>
    %dma_start3A_112 = arith.constant 0 : i32
    %dma_start3A_113 = tpu.memref_slice %arg5[%add3A_106, %dma_start3A_112] : memref<8192x128xi32, #tpu.memory_space<hbm>> -> memref<128x128xi32, #tpu.memory_space<hbm>>
    %dma_start3A_114 = arith.constant 0 : i32
    %dma_start3A_115 = tpu.memref_slice %arg5[%add3A_106, %dma_start3A_114] : memref<8192x128xi32, #tpu.memory_space<hbm>> -> memref<128x128xi32, #tpu.memory_space<hbm>>
    %dma_start3A_116 = arith.constant 0 : i32
    %dma_start3A_117 = arith.constant 0 : i32
    %dma_start3A_118 = tpu.memref_slice %arg9[%dma_start3A_107, %dma_start3A_116, %dma_start3A_117] : memref<2x128x128xi32, #tpu.memory_space<vmem>> -> memref<1x128x128xi32, #tpu.memory_space<vmem>>
    %dma_start3A_119 = tpu.memref_squeeze %dma_start3A_118 : memref<1x128x128xi32, #tpu.memory_space<vmem>> -> memref<128x128xi32, #tpu.memory_space<vmem>>
    tpu.enqueue_dma source(%dma_start3A_119 : memref<128x128xi32, #tpu.memory_space<vmem>>) target(%dma_start3A_115 : memref<128x128xi32, #tpu.memory_space<hbm>>) target_semaphore(%arg12 : memref<!tpu.dma_semaphore, #tpu.memory_space<semaphore_mem>>)
    %dma_start3A_120 = arith.constant 0 : i32
    %dma_start3A_121 = arith.constant 0 : i32
    %dma_start3A_122 = arith.constant 0 : i32
    %dma_start3A_123 = tpu.memref_slice %arg10[%dma_start3A_120, %dma_start3A_121, %dma_start3A_122] : memref<2x128x128xi32, #tpu.memory_space<vmem>> -> memref<1x128x128xi32, #tpu.memory_space<vmem>>
    %dma_start3A_124 = tpu.memref_squeeze %dma_start3A_123 : memref<1x128x128xi32, #tpu.memory_space<vmem>> -> memref<128x128xi32, #tpu.memory_space<vmem>>
    %dma_start3A_125 = arith.constant 0 : i32
    %dma_start3A_126 = tpu.memref_slice %arg6[%add3A_106, %dma_start3A_125] : memref<8192x128xi32, #tpu.memory_space<hbm>> -> memref<128x128xi32, #tpu.memory_space<hbm>>
    %dma_start3A_127 = arith.constant 0 : i32
    %dma_start3A_128 = tpu.memref_slice %arg6[%add3A_106, %dma_start3A_127] : memref<8192x128xi32, #tpu.memory_space<hbm>> -> memref<128x128xi32, #tpu.memory_space<hbm>>
    %dma_start3A_129 = arith.constant 0 : i32
    %dma_start3A_130 = arith.constant 0 : i32
    %dma_start3A_131 = tpu.memref_slice %arg10[%dma_start3A_120, %dma_start3A_129, %dma_start3A_130] : memref<2x128x128xi32, #tpu.memory_space<vmem>> -> memref<1x128x128xi32, #tpu.memory_space<vmem>>
    %dma_start3A_132 = tpu.memref_squeeze %dma_start3A_131 : memref<1x128x128xi32, #tpu.memory_space<vmem>> -> memref<128x128xi32, #tpu.memory_space<vmem>>
    tpu.enqueue_dma source(%dma_start3A_132 : memref<128x128xi32, #tpu.memory_space<vmem>>) target(%dma_start3A_128 : memref<128x128xi32, #tpu.memory_space<hbm>>) target_semaphore(%arg12 : memref<!tpu.dma_semaphore, #tpu.memory_space<semaphore_mem>>)
    %add3A_133 = arith.constant 128 : i32
    %add3A_134 = arith.addi %mul3A_2, %add3A_133 : i32
    %dma_start3A_135 = arith.constant 1 : i32
    %dma_start3A_136 = arith.constant 0 : i32
    %dma_start3A_137 = arith.constant 0 : i32
    %dma_start3A_138 = tpu.memref_slice %arg9[%dma_start3A_135, %dma_start3A_136, %dma_start3A_137] : memref<2x128x128xi32, #tpu.memory_space<vmem>> -> memref<1x128x128xi32, #tpu.memory_space<vmem>>
    %dma_start3A_139 = tpu.memref_squeeze %dma_start3A_138 : memref<1x128x128xi32, #tpu.memory_space<vmem>> -> memref<128x128xi32, #tpu.memory_space<vmem>>
    %dma_start3A_140 = arith.constant 0 : i32
    %dma_start3A_141 = tpu.memref_slice %arg5[%add3A_134, %dma_start3A_140] : memref<8192x128xi32, #tpu.memory_space<hbm>> -> memref<128x128xi32, #tpu.memory_space<hbm>>
    %dma_start3A_142 = arith.constant 0 : i32
    %dma_start3A_143 = tpu.memref_slice %arg5[%add3A_134, %dma_start3A_142] : memref<8192x128xi32, #tpu.memory_space<hbm>> -> memref<128x128xi32, #tpu.memory_space<hbm>>
    %dma_start3A_144 = arith.constant 0 : i32
    %dma_start3A_145 = arith.constant 0 : i32
    %dma_start3A_146 = tpu.memref_slice %arg9[%dma_start3A_135, %dma_start3A_144, %dma_start3A_145] : memref<2x128x128xi32, #tpu.memory_space<vmem>> -> memref<1x128x128xi32, #tpu.memory_space<vmem>>
    %dma_start3A_147 = tpu.memref_squeeze %dma_start3A_146 : memref<1x128x128xi32, #tpu.memory_space<vmem>> -> memref<128x128xi32, #tpu.memory_space<vmem>>
    tpu.enqueue_dma source(%dma_start3A_147 : memref<128x128xi32, #tpu.memory_space<vmem>>) target(%dma_start3A_143 : memref<128x128xi32, #tpu.memory_space<hbm>>) target_semaphore(%arg12 : memref<!tpu.dma_semaphore, #tpu.memory_space<semaphore_mem>>)
    %dma_start3A_148 = arith.constant 1 : i32
    %dma_start3A_149 = arith.constant 0 : i32
    %dma_start3A_150 = arith.constant 0 : i32
    %dma_start3A_151 = tpu.memref_slice %arg10[%dma_start3A_148, %dma_start3A_149, %dma_start3A_150] : memref<2x128x128xi32, #tpu.memory_space<vmem>> -> memref<1x128x128xi32, #tpu.memory_space<vmem>>
    %dma_start3A_152 = tpu.memref_squeeze %dma_start3A_151 : memref<1x128x128xi32, #tpu.memory_space<vmem>> -> memref<128x128xi32, #tpu.memory_space<vmem>>
    %dma_start3A_153 = arith.constant 0 : i32
    %dma_start3A_154 = tpu.memref_slice %arg6[%add3A_134, %dma_start3A_153] : memref<8192x128xi32, #tpu.memory_space<hbm>> -> memref<128x128xi32, #tpu.memory_space<hbm>>
    %dma_start3A_155 = arith.constant 0 : i32
    %dma_start3A_156 = tpu.memref_slice %arg6[%add3A_134, %dma_start3A_155] : memref<8192x128xi32, #tpu.memory_space<hbm>> -> memref<128x128xi32, #tpu.memory_space<hbm>>
    %dma_start3A_157 = arith.constant 0 : i32
    %dma_start3A_158 = arith.constant 0 : i32
    %dma_start3A_159 = tpu.memref_slice %arg10[%dma_start3A_148, %dma_start3A_157, %dma_start3A_158] : memref<2x128x128xi32, #tpu.memory_space<vmem>> -> memref<1x128x128xi32, #tpu.memory_space<vmem>>
    %dma_start3A_160 = tpu.memref_squeeze %dma_start3A_159 : memref<1x128x128xi32, #tpu.memory_space<vmem>> -> memref<128x128xi32, #tpu.memory_space<vmem>>
    tpu.enqueue_dma source(%dma_start3A_160 : memref<128x128xi32, #tpu.memory_space<vmem>>) target(%dma_start3A_156 : memref<128x128xi32, #tpu.memory_space<hbm>>) target_semaphore(%arg12 : memref<!tpu.dma_semaphore, #tpu.memory_space<semaphore_mem>>)
    %dma_wait3A_161 = arith.constant 0 : i32
    %dma_wait3A_162 = arith.constant 0 : i32
    %dma_wait3A_163 = arith.constant 0 : i32
    %dma_wait3A_164 = tpu.memref_slice %arg9[%dma_wait3A_161, %dma_wait3A_162, %dma_wait3A_163] : memref<2x128x128xi32, #tpu.memory_space<vmem>> -> memref<1x128x128xi32, #tpu.memory_space<vmem>>
    %dma_wait3A_165 = tpu.memref_squeeze %dma_wait3A_164 : memref<1x128x128xi32, #tpu.memory_space<vmem>> -> memref<128x128xi32, #tpu.memory_space<vmem>>
    %dma_wait3A_166 = arith.constant 0 : i32
    %dma_wait3A_167 = tpu.memref_slice %arg5[%add3A_106, %dma_wait3A_166] : memref<8192x128xi32, #tpu.memory_space<hbm>> -> memref<128x128xi32, #tpu.memory_space<hbm>>
    %dma_wait3A_168 = arith.constant 0 : i32
    %dma_wait3A_169 = tpu.memref_slice %arg5[%add3A_106, %dma_wait3A_168] : memref<8192x128xi32, #tpu.memory_space<hbm>> -> memref<128x128xi32, #tpu.memory_space<hbm>>
    %dma_wait3A_170 = arith.constant 0 : i32
    %dma_wait3A_171 = arith.constant 0 : i32
    %dma_wait3A_172 = tpu.memref_slice %arg9[%dma_wait3A_161, %dma_wait3A_170, %dma_wait3A_171] : memref<2x128x128xi32, #tpu.memory_space<vmem>> -> memref<1x128x128xi32, #tpu.memory_space<vmem>>
    %dma_wait3A_173 = tpu.memref_squeeze %dma_wait3A_172 : memref<1x128x128xi32, #tpu.memory_space<vmem>> -> memref<128x128xi32, #tpu.memory_space<vmem>>
    tpu.wait_dma2 semaphore(%arg12 : memref<!tpu.dma_semaphore, #tpu.memory_space<semaphore_mem>>) src(%dma_wait3A_173 : memref<128x128xi32, #tpu.memory_space<vmem>>) dst(%dma_wait3A_169 : memref<128x128xi32, #tpu.memory_space<hbm>>)
    %dma_wait3A_174 = arith.constant 0 : i32
    %dma_wait3A_175 = arith.constant 0 : i32
    %dma_wait3A_176 = arith.constant 0 : i32
    %dma_wait3A_177 = tpu.memref_slice %arg10[%dma_wait3A_174, %dma_wait3A_175, %dma_wait3A_176] : memref<2x128x128xi32, #tpu.memory_space<vmem>> -> memref<1x128x128xi32, #tpu.memory_space<vmem>>
    %dma_wait3A_178 = tpu.memref_squeeze %dma_wait3A_177 : memref<1x128x128xi32, #tpu.memory_space<vmem>> -> memref<128x128xi32, #tpu.memory_space<vmem>>
    %dma_wait3A_179 = arith.constant 0 : i32
    %dma_wait3A_180 = tpu.memref_slice %arg6[%add3A_106, %dma_wait3A_179] : memref<8192x128xi32, #tpu.memory_space<hbm>> -> memref<128x128xi32, #tpu.memory_space<hbm>>
    %dma_wait3A_181 = arith.constant 0 : i32
    %dma_wait3A_182 = tpu.memref_slice %arg6[%add3A_106, %dma_wait3A_181] : memref<8192x128xi32, #tpu.memory_space<hbm>> -> memref<128x128xi32, #tpu.memory_space<hbm>>
    %dma_wait3A_183 = arith.constant 0 : i32
    %dma_wait3A_184 = arith.constant 0 : i32
    %dma_wait3A_185 = tpu.memref_slice %arg10[%dma_wait3A_174, %dma_wait3A_183, %dma_wait3A_184] : memref<2x128x128xi32, #tpu.memory_space<vmem>> -> memref<1x128x128xi32, #tpu.memory_space<vmem>>
    %dma_wait3A_186 = tpu.memref_squeeze %dma_wait3A_185 : memref<1x128x128xi32, #tpu.memory_space<vmem>> -> memref<128x128xi32, #tpu.memory_space<vmem>>
    tpu.wait_dma2 semaphore(%arg12 : memref<!tpu.dma_semaphore, #tpu.memory_space<semaphore_mem>>) src(%dma_wait3A_186 : memref<128x128xi32, #tpu.memory_space<vmem>>) dst(%dma_wait3A_182 : memref<128x128xi32, #tpu.memory_space<hbm>>)
    %dma_wait3A_187 = arith.constant 1 : i32
    %dma_wait3A_188 = arith.constant 0 : i32
    %dma_wait3A_189 = arith.constant 0 : i32
    %dma_wait3A_190 = tpu.memref_slice %arg9[%dma_wait3A_187, %dma_wait3A_188, %dma_wait3A_189] : memref<2x128x128xi32, #tpu.memory_space<vmem>> -> memref<1x128x128xi32, #tpu.memory_space<vmem>>
    %dma_wait3A_191 = tpu.memref_squeeze %dma_wait3A_190 : memref<1x128x128xi32, #tpu.memory_space<vmem>> -> memref<128x128xi32, #tpu.memory_space<vmem>>
    %dma_wait3A_192 = arith.constant 0 : i32
    %dma_wait3A_193 = tpu.memref_slice %arg5[%add3A_134, %dma_wait3A_192] : memref<8192x128xi32, #tpu.memory_space<hbm>> -> memref<128x128xi32, #tpu.memory_space<hbm>>
    %dma_wait3A_194 = arith.constant 0 : i32
    %dma_wait3A_195 = tpu.memref_slice %arg5[%add3A_134, %dma_wait3A_194] : memref<8192x128xi32, #tpu.memory_space<hbm>> -> memref<128x128xi32, #tpu.memory_space<hbm>>
    %dma_wait3A_196 = arith.constant 0 : i32
    %dma_wait3A_197 = arith.constant 0 : i32
    %dma_wait3A_198 = tpu.memref_slice %arg9[%dma_wait3A_187, %dma_wait3A_196, %dma_wait3A_197] : memref<2x128x128xi32, #tpu.memory_space<vmem>> -> memref<1x128x128xi32, #tpu.memory_space<vmem>>
    %dma_wait3A_199 = tpu.memref_squeeze %dma_wait3A_198 : memref<1x128x128xi32, #tpu.memory_space<vmem>> -> memref<128x128xi32, #tpu.memory_space<vmem>>
    tpu.wait_dma2 semaphore(%arg12 : memref<!tpu.dma_semaphore, #tpu.memory_space<semaphore_mem>>) src(%dma_wait3A_199 : memref<128x128xi32, #tpu.memory_space<vmem>>) dst(%dma_wait3A_195 : memref<128x128xi32, #tpu.memory_space<hbm>>)
    %dma_wait3A_200 = arith.constant 1 : i32
    %dma_wait3A_201 = arith.constant 0 : i32
    %dma_wait3A_202 = arith.constant 0 : i32
    %dma_wait3A_203 = tpu.memref_slice %arg10[%dma_wait3A_200, %dma_wait3A_201, %dma_wait3A_202] : memref<2x128x128xi32, #tpu.memory_space<vmem>> -> memref<1x128x128xi32, #tpu.memory_space<vmem>>
    %dma_wait3A_204 = tpu.memref_squeeze %dma_wait3A_203 : memref<1x128x128xi32, #tpu.memory_space<vmem>> -> memref<128x128xi32, #tpu.memory_space<vmem>>
    %dma_wait3A_205 = arith.constant 0 : i32
    %dma_wait3A_206 = tpu.memref_slice %arg6[%add3A_134, %dma_wait3A_205] : memref<8192x128xi32, #tpu.memory_space<hbm>> -> memref<128x128xi32, #tpu.memory_space<hbm>>
    %dma_wait3A_207 = arith.constant 0 : i32
    %dma_wait3A_208 = tpu.memref_slice %arg6[%add3A_134, %dma_wait3A_207] : memref<8192x128xi32, #tpu.memory_space<hbm>> -> memref<128x128xi32, #tpu.memory_space<hbm>>
    %dma_wait3A_209 = arith.constant 0 : i32
    %dma_wait3A_210 = arith.constant 0 : i32
    %dma_wait3A_211 = tpu.memref_slice %arg10[%dma_wait3A_200, %dma_wait3A_209, %dma_wait3A_210] : memref<2x128x128xi32, #tpu.memory_space<vmem>> -> memref<1x128x128xi32, #tpu.memory_space<vmem>>
    %dma_wait3A_212 = tpu.memref_squeeze %dma_wait3A_211 : memref<1x128x128xi32, #tpu.memory_space<vmem>> -> memref<128x128xi32, #tpu.memory_space<vmem>>
    tpu.wait_dma2 semaphore(%arg12 : memref<!tpu.dma_semaphore, #tpu.memory_space<semaphore_mem>>) src(%dma_wait3A_212 : memref<128x128xi32, #tpu.memory_space<vmem>>) dst(%dma_wait3A_208 : memref<128x128xi32, #tpu.memory_space<hbm>>)
    return
  }
}

module attributes {stable_mosaic.version = 14 : i64} {
  func.func @_repack_body(%arg0: i32, %arg1: memref<32x8192xf32, #tpu.memory_space<vmem>>, %arg2: memref<32x8192xf32, #tpu.memory_space<vmem>>, %arg3: memref<32x8192xf32, #tpu.memory_space<vmem>>, %arg4: memref<32x8192xf32, #tpu.memory_space<vmem>>, %arg5: memref<32x1xf32, #tpu.memory_space<vmem>>, %arg6: memref<4096x128xi32, #tpu.memory_space<vmem>>) attributes {dimension_semantics = [#tpu.dimension_semantics<arbitrary>], iteration_bounds = array<i64: 13>, scalar_prefetch = 0 : i64, scratch_operands = 0 : i64, tpu.core_type = #tpu.core_type<tc>, window_params = [{transform_indices = @transform_0, window_bounds = array<i64: 32, 8192>}, {transform_indices = @transform_1, window_bounds = array<i64: 32, 8192>}, {transform_indices = @transform_2, window_bounds = array<i64: 32, 8192>}, {transform_indices = @transform_3, window_bounds = array<i64: 32, 8192>}, {pipeline_mode = #tpu.pipeline_mode<synchronous>, transform_indices = @transform_4, window_bounds = array<i64: 32, 1>}, {transform_indices = @transform_5, window_bounds = array<i64: 4096, 128>}]} {
    %get3A = arith.constant 0 : index
    %get3A_0 = arith.constant 0 : index
    %get3A_1 = vector.load %arg1[%get3A, %get3A_0] : memref<32x8192xf32, #tpu.memory_space<vmem>>, vector<32x8192xf32>
    %get3A_2 = arith.constant 0 : index
    %get3A_3 = arith.constant 0 : index
    %get3A_4 = vector.load %arg5[%get3A_2, %get3A_3] : memref<32x1xf32, #tpu.memory_space<vmem>>, vector<32x1xf32>
    %mul3A = vector.broadcast %get3A_4 : vector<32x1xf32> to vector<32x8192xf32>
    %mul3A_5 = arith.mulf %get3A_1, %mul3A : vector<32x8192xf32>
    %convert_element_type3A = arith.truncf %mul3A_5 : vector<32x8192xf32> to vector<32x8192xbf16>
    %transpose3A = tpu.transpose %convert_element_type3A, [1, 0] : vector<32x8192xbf16> -> vector<8192x32xbf16>
    %get3A_6 = arith.constant 0 : index
    %get3A_7 = arith.constant 0 : index
    %get3A_8 = vector.load %arg2[%get3A_6, %get3A_7] : memref<32x8192xf32, #tpu.memory_space<vmem>>, vector<32x8192xf32>
    %convert_element_type3A_9 = arith.truncf %get3A_8 : vector<32x8192xf32> to vector<32x8192xbf16>
    %transpose3A_10 = tpu.transpose %convert_element_type3A_9, [1, 0] : vector<32x8192xbf16> -> vector<8192x32xbf16>
    %get3A_11 = arith.constant 0 : index
    %get3A_12 = arith.constant 0 : index
    %get3A_13 = vector.load %arg3[%get3A_11, %get3A_12] : memref<32x8192xf32, #tpu.memory_space<vmem>>, vector<32x8192xf32>
    %convert_element_type3A_14 = arith.truncf %get3A_13 : vector<32x8192xf32> to vector<32x8192xbf16>
    %transpose3A_15 = tpu.transpose %convert_element_type3A_14, [1, 0] : vector<32x8192xbf16> -> vector<8192x32xbf16>
    %get3A_16 = arith.constant 0 : index
    %get3A_17 = arith.constant 0 : index
    %get3A_18 = vector.load %arg4[%get3A_16, %get3A_17] : memref<32x8192xf32, #tpu.memory_space<vmem>>, vector<32x8192xf32>
    %convert_element_type3A_19 = arith.truncf %get3A_18 : vector<32x8192xf32> to vector<32x8192xbf16>
    %transpose3A_20 = tpu.transpose %convert_element_type3A_19, [1, 0] : vector<32x8192xbf16> -> vector<8192x32xbf16>
    %concatenate3A = tpu.concatenate %transpose3A, %transpose3A_10, %transpose3A_15, %transpose3A_20 in 1 : vector<8192x32xbf16>, vector<8192x32xbf16>, vector<8192x32xbf16>, vector<8192x32xbf16> -> vector<8192x128xbf16>
    %bitcast3A = tpu.bitcast %concatenate3A : vector<8192x128xbf16> -> vector<4096x128xi32>
    %swap3A = arith.constant 0 : index
    %swap3A_21 = arith.constant 0 : index
    %swap3A_22 = vector.load %arg6[%swap3A, %swap3A_21] : memref<4096x128xi32, #tpu.memory_space<vmem>>, vector<4096x128xi32>
    tpu.vector_store %arg6[%swap3A, %swap3A_21], %bitcast3A {strides = array<i32>} : memref<4096x128xi32, #tpu.memory_space<vmem>>, vector<4096x128xi32>,
    return
  }
  func.func @transform_0(%arg0: i32) -> (i32, i32) {
    %c0_i32 = arith.constant 0 : i32
    %c0_i32_0 = arith.constant 0 : i32
    return %c0_i32, %arg0 : i32, i32
  }
  func.func @transform_1(%arg0: i32) -> (i32, i32) {
    %c0_i32 = arith.constant 0 : i32
    %c0_i32_0 = arith.constant 0 : i32
    return %c0_i32, %arg0 : i32, i32
  }
  func.func @transform_2(%arg0: i32) -> (i32, i32) {
    %c0_i32 = arith.constant 0 : i32
    %c0_i32_0 = arith.constant 0 : i32
    return %c0_i32, %arg0 : i32, i32
  }
  func.func @transform_3(%arg0: i32) -> (i32, i32) {
    %c0_i32 = arith.constant 0 : i32
    %c0_i32_0 = arith.constant 0 : i32
    return %c0_i32, %arg0 : i32, i32
  }
  func.func @transform_4(%arg0: i32) -> (i32, i32) {
    %c0_i32 = arith.constant 0 : i32
    %c0_i32_0 = arith.constant 0 : i32
    %c0_i32_1 = arith.constant 0 : i32
    return %c0_i32, %c0_i32_0 : i32, i32
  }
  func.func @transform_5(%arg0: i32) -> (i32, i32) {
    %c0_i32 = arith.constant 0 : i32
    %c0_i32_0 = arith.constant 0 : i32
    return %arg0, %c0_i32 : i32, i32
  }
}

module attributes {stable_mosaic.version = 14 : i64} {
  func.func @_tc_body(%arg0: i32, %arg1: memref<4096x128xi32, #tpu.memory_space<vmem>>, %arg2: memref<4096x128xi32, #tpu.memory_space<vmem>>, %arg3: memref<4096x2xi32, #tpu.memory_space<vmem>>, %arg4: memref<64x32xbf16, #tpu.memory_space<vmem>>, %arg5: memref<1x32xf32, #tpu.memory_space<vmem>>, %arg6: memref<32x16xbf16, #tpu.memory_space<vmem>>, %arg7: memref<1x16xf32, #tpu.memory_space<vmem>>, %arg8: memref<16x32xbf16, #tpu.memory_space<vmem>>, %arg9: memref<1x32xf32, #tpu.memory_space<vmem>>, %arg10: memref<1x32xf32, #tpu.memory_space<vmem>>, %arg11: memref<1x1xf32, #tpu.memory_space<vmem>>, %arg12: memref<4096xf32, #tpu.memory_space<vmem>>) attributes {dimension_semantics = [#tpu.dimension_semantics<arbitrary>], iteration_bounds = array<i64: 2>, scalar_prefetch = 0 : i64, scratch_operands = 0 : i64, tpu.core_type = #tpu.core_type<tc>, window_params = [{transform_indices = @transform_0, window_bounds = array<i64: 4096, 128>}, {transform_indices = @transform_1, window_bounds = array<i64: 4096, 128>}, {transform_indices = @transform_2, window_bounds = array<i64: 4096, 2>}, {pipeline_mode = #tpu.pipeline_mode<synchronous>, transform_indices = @transform_3, window_bounds = array<i64: 64, 32>}, {pipeline_mode = #tpu.pipeline_mode<synchronous>, transform_indices = @transform_4, window_bounds = array<i64: 1, 32>}, {pipeline_mode = #tpu.pipeline_mode<synchronous>, transform_indices = @transform_5, window_bounds = array<i64: 32, 16>}, {pipeline_mode = #tpu.pipeline_mode<synchronous>, transform_indices = @transform_6, window_bounds = array<i64: 1, 16>}, {pipeline_mode = #tpu.pipeline_mode<synchronous>, transform_indices = @transform_7, window_bounds = array<i64: 16, 32>}, {pipeline_mode = #tpu.pipeline_mode<synchronous>, transform_indices = @transform_8, window_bounds = array<i64: 1, 32>}, {pipeline_mode = #tpu.pipeline_mode<synchronous>, transform_indices = @transform_9, window_bounds = array<i64: 1, 32>}, {pipeline_mode = #tpu.pipeline_mode<synchronous>, transform_indices = @transform_10, window_bounds = array<i64: 1, 1>}, {transform_indices = @transform_11, window_bounds = array<i64: 4096>}]} {
    %get3A = arith.constant 0 : index
    %get3A_0 = arith.constant 0 : index
    %get3A_1 = vector.load %arg3[%get3A, %get3A_0] : memref<4096x2xi32, #tpu.memory_space<vmem>>, vector<4096x1xi32>
    %and3A = arith.constant 1 : i32
    %and3A_2 = vector.broadcast %and3A : i32 to vector<4096x1xi32>
    %and3A_3 = arith.andi %get3A_1, %and3A_2 : vector<4096x1xi32>
    %shift_left3A = arith.constant 4 : i32
    %shift_left3A_4 = vector.broadcast %shift_left3A : i32 to vector<4096x1xi32>
    %shift_left3A_5 = arith.shli %and3A_3, %shift_left3A_4 : vector<4096x1xi32>
    %get3A_6 = arith.constant 0 : index
    %get3A_7 = arith.constant 1 : index
    %get3A_8 = vector.load %arg3[%get3A_6, %get3A_7] : memref<4096x2xi32, #tpu.memory_space<vmem>>, vector<4096x1xi32>
    %and3A_9 = arith.constant 1 : i32
    %and3A_10 = vector.broadcast %and3A_9 : i32 to vector<4096x1xi32>
    %and3A_11 = arith.andi %get3A_8, %and3A_10 : vector<4096x1xi32>
    %shift_left3A_12 = arith.constant 4 : i32
    %shift_left3A_13 = vector.broadcast %shift_left3A_12 : i32 to vector<4096x1xi32>
    %shift_left3A_14 = arith.shli %and3A_11, %shift_left3A_13 : vector<4096x1xi32>
    %get3A_15 = arith.constant 0 : index
    %get3A_16 = arith.constant 0 : index
    %get3A_17 = vector.load %arg1[%get3A_15, %get3A_16] : memref<4096x128xi32, #tpu.memory_space<vmem>>, vector<4096x32xi32>
    %bitcast_convert_type3A = tpu.bitcast %get3A_17 : vector<4096x32xi32> -> vector<4096x32xi32>
    %shift_right_logical3A = vector.broadcast %shift_left3A_5 : vector<4096x1xi32> to vector<4096x32xi32>
    %shift_right_logical3A_18 = arith.shrui %bitcast_convert_type3A, %shift_right_logical3A : vector<4096x32xi32>
    %and3A_19 = arith.constant 65535 : i32
    %and3A_20 = vector.broadcast %and3A_19 : i32 to vector<4096x32xi32>
    %and3A_21 = arith.andi %shift_right_logical3A_18, %and3A_20 : vector<4096x32xi32>
    %convert_element_type3A = arith.trunci %and3A_21 : vector<4096x32xi32> to vector<4096x32xi16>
    %bitcast_convert_type3A_22 = tpu.bitcast %convert_element_type3A : vector<4096x32xi16> -> vector<4096x32xbf16>
    %get3A_23 = arith.constant 0 : index
    %get3A_24 = arith.constant 32 : index
    %get3A_25 = vector.load %arg2[%get3A_23, %get3A_24] : memref<4096x128xi32, #tpu.memory_space<vmem>>, vector<4096x32xi32>
    %bitcast_convert_type3A_26 = tpu.bitcast %get3A_25 : vector<4096x32xi32> -> vector<4096x32xi32>
    %shift_right_logical3A_27 = vector.broadcast %shift_left3A_14 : vector<4096x1xi32> to vector<4096x32xi32>
    %shift_right_logical3A_28 = arith.shrui %bitcast_convert_type3A_26, %shift_right_logical3A_27 : vector<4096x32xi32>
    %and3A_29 = arith.constant 65535 : i32
    %and3A_30 = vector.broadcast %and3A_29 : i32 to vector<4096x32xi32>
    %and3A_31 = arith.andi %shift_right_logical3A_28, %and3A_30 : vector<4096x32xi32>
    %convert_element_type3A_32 = arith.trunci %and3A_31 : vector<4096x32xi32> to vector<4096x32xi16>
    %bitcast_convert_type3A_33 = tpu.bitcast %convert_element_type3A_32 : vector<4096x32xi16> -> vector<4096x32xbf16>
    %get3A_34 = arith.constant 0 : index
    %get3A_35 = arith.constant 64 : index
    %get3A_36 = vector.load %arg1[%get3A_34, %get3A_35] : memref<4096x128xi32, #tpu.memory_space<vmem>>, vector<4096x32xi32>
    %bitcast_convert_type3A_37 = tpu.bitcast %get3A_36 : vector<4096x32xi32> -> vector<4096x32xi32>
    %shift_right_logical3A_38 = vector.broadcast %shift_left3A_5 : vector<4096x1xi32> to vector<4096x32xi32>
    %shift_right_logical3A_39 = arith.shrui %bitcast_convert_type3A_37, %shift_right_logical3A_38 : vector<4096x32xi32>
    %and3A_40 = arith.constant 65535 : i32
    %and3A_41 = vector.broadcast %and3A_40 : i32 to vector<4096x32xi32>
    %and3A_42 = arith.andi %shift_right_logical3A_39, %and3A_41 : vector<4096x32xi32>
    %convert_element_type3A_43 = arith.trunci %and3A_42 : vector<4096x32xi32> to vector<4096x32xi16>
    %bitcast_convert_type3A_44 = tpu.bitcast %convert_element_type3A_43 : vector<4096x32xi16> -> vector<4096x32xbf16>
    %get3A_45 = arith.constant 0 : index
    %get3A_46 = arith.constant 96 : index
    %get3A_47 = vector.load %arg2[%get3A_45, %get3A_46] : memref<4096x128xi32, #tpu.memory_space<vmem>>, vector<4096x32xi32>
    %bitcast_convert_type3A_48 = tpu.bitcast %get3A_47 : vector<4096x32xi32> -> vector<4096x32xi32>
    %shift_right_logical3A_49 = vector.broadcast %shift_left3A_14 : vector<4096x1xi32> to vector<4096x32xi32>
    %shift_right_logical3A_50 = arith.shrui %bitcast_convert_type3A_48, %shift_right_logical3A_49 : vector<4096x32xi32>
    %and3A_51 = arith.constant 65535 : i32
    %and3A_52 = vector.broadcast %and3A_51 : i32 to vector<4096x32xi32>
    %and3A_53 = arith.andi %shift_right_logical3A_50, %and3A_52 : vector<4096x32xi32>
    %convert_element_type3A_54 = arith.trunci %and3A_53 : vector<4096x32xi32> to vector<4096x32xi16>
    %bitcast_convert_type3A_55 = tpu.bitcast %convert_element_type3A_54 : vector<4096x32xi16> -> vector<4096x32xbf16>
    %get3A_56 = arith.constant 0 : index
    %get3A_57 = arith.constant 0 : index
    %get3A_58 = vector.load %arg4[%get3A_56, %get3A_57] : memref<64x32xbf16, #tpu.memory_space<vmem>>, vector<32x32xbf16>
    %dot_general3A = arith.constant dense<0.000000e+00> : vector<4096x32xf32>
    %dot_general3A_59 = tpu.matmul %bitcast_convert_type3A_44, %get3A_58, %dot_general3A {dimension_numbers = #tpu.dot_dimension_numbers<[1], [0], [0], [1], [0, 0, 1, 1], [], []>, transpose_lhs_hint = false} : vector<4096x32xbf16>, vector<32x32xbf16>, vector<4096x32xf32> -> vector<4096x32xf32>
    %get3A_60 = arith.constant 32 : index
    %get3A_61 = arith.constant 0 : index
    %get3A_62 = vector.load %arg4[%get3A_60, %get3A_61] : memref<64x32xbf16, #tpu.memory_space<vmem>>, vector<32x32xbf16>
    %dot_general3A_63 = arith.constant dense<0.000000e+00> : vector<4096x32xf32>
    %dot_general3A_64 = tpu.matmul %bitcast_convert_type3A_55, %get3A_62, %dot_general3A_63 {dimension_numbers = #tpu.dot_dimension_numbers<[1], [0], [0], [1], [0, 0, 1, 1], [], []>, transpose_lhs_hint = false} : vector<4096x32xbf16>, vector<32x32xbf16>, vector<4096x32xf32> -> vector<4096x32xf32>
    %add3A = arith.addf %dot_general3A_59, %dot_general3A_64 : vector<4096x32xf32>
    %get3A_65 = arith.constant 0 : index
    %get3A_66 = arith.constant 0 : index
    %get3A_67 = vector.load %arg5[%get3A_65, %get3A_66] : memref<1x32xf32, #tpu.memory_space<vmem>>, vector<1x32xf32>
    %add3A_68 = vector.broadcast %get3A_67 : vector<1x32xf32> to vector<4096x32xf32>
    %add3A_69 = arith.addf %add3A, %add3A_68 : vector<4096x32xf32>
    %max3A = arith.constant 0.000000e+00 : f32
    %max3A_70 = vector.broadcast %max3A : f32 to vector<4096x32xf32>
    %max3A_71 = arith.maximumf %add3A_69, %max3A_70 : vector<4096x32xf32>
    %convert_element_type3A_72 = arith.truncf %max3A_71 : vector<4096x32xf32> to vector<4096x32xbf16>
    %get3A_73 = arith.constant 0 : index
    %get3A_74 = arith.constant 0 : index
    %get3A_75 = vector.load %arg6[%get3A_73, %get3A_74] : memref<32x16xbf16, #tpu.memory_space<vmem>>, vector<32x16xbf16>
    %dot_general3A_76 = arith.constant dense<0.000000e+00> : vector<4096x16xf32>
    %dot_general3A_77 = tpu.matmul %convert_element_type3A_72, %get3A_75, %dot_general3A_76 {dimension_numbers = #tpu.dot_dimension_numbers<[1], [0], [0], [1], [0, 0, 1, 1], [], []>, transpose_lhs_hint = false} : vector<4096x32xbf16>, vector<32x16xbf16>, vector<4096x16xf32> -> vector<4096x16xf32>
    %get3A_78 = arith.constant 0 : index
    %get3A_79 = arith.constant 0 : index
    %get3A_80 = vector.load %arg7[%get3A_78, %get3A_79] : memref<1x16xf32, #tpu.memory_space<vmem>>, vector<1x16xf32>
    %add3A_81 = vector.broadcast %get3A_80 : vector<1x16xf32> to vector<4096x16xf32>
    %add3A_82 = arith.addf %dot_general3A_77, %add3A_81 : vector<4096x16xf32>
    %max3A_83 = arith.constant 0.000000e+00 : f32
    %max3A_84 = vector.broadcast %max3A_83 : f32 to vector<4096x16xf32>
    %max3A_85 = arith.maximumf %add3A_82, %max3A_84 : vector<4096x16xf32>
    %convert_element_type3A_86 = arith.truncf %max3A_85 : vector<4096x16xf32> to vector<4096x16xbf16>
    %get3A_87 = arith.constant 0 : index
    %get3A_88 = arith.constant 0 : index
    %get3A_89 = vector.load %arg8[%get3A_87, %get3A_88] : memref<16x32xbf16, #tpu.memory_space<vmem>>, vector<16x32xbf16>
    %dot_general3A_90 = arith.constant dense<0.000000e+00> : vector<4096x32xf32>
    %dot_general3A_91 = tpu.matmul %convert_element_type3A_86, %get3A_89, %dot_general3A_90 {dimension_numbers = #tpu.dot_dimension_numbers<[1], [0], [0], [1], [0, 0, 1, 1], [], []>, transpose_lhs_hint = false} : vector<4096x16xbf16>, vector<16x32xbf16>, vector<4096x32xf32> -> vector<4096x32xf32>
    %get3A_92 = arith.constant 0 : index
    %get3A_93 = arith.constant 0 : index
    %get3A_94 = vector.load %arg9[%get3A_92, %get3A_93] : memref<1x32xf32, #tpu.memory_space<vmem>>, vector<1x32xf32>
    %add3A_95 = vector.broadcast %get3A_94 : vector<1x32xf32> to vector<4096x32xf32>
    %add3A_96 = arith.addf %dot_general3A_91, %add3A_95 : vector<4096x32xf32>
    %mul3A = arith.mulf %bitcast_convert_type3A_22, %bitcast_convert_type3A_33 : vector<4096x32xbf16>
    %convert_element_type3A_97 = arith.extf %mul3A : vector<4096x32xbf16> to vector<4096x32xf32>
    %reduce_sum3A = arith.constant dense<0.000000e+00> : vector<4096xf32>
    %reduce_sum3A_98 = vector.multi_reduction <add>, %convert_element_type3A_97, %reduce_sum3A [1] : vector<4096x32xf32> to vector<4096xf32>
    %get3A_99 = arith.constant 0 : index
    %get3A_100 = arith.constant 0 : index
    %get3A_101 = vector.load %arg10[%get3A_99, %get3A_100] : memref<1x32xf32, #tpu.memory_space<vmem>>, vector<1x32xf32>
    %mul3A_102 = vector.broadcast %get3A_101 : vector<1x32xf32> to vector<4096x32xf32>
    %mul3A_103 = arith.mulf %add3A_96, %mul3A_102 : vector<4096x32xf32>
    %reduce_sum3A_104 = arith.constant dense<0.000000e+00> : vector<4096xf32>
    %reduce_sum3A_105 = vector.multi_reduction <add>, %mul3A_103, %reduce_sum3A_104 [1] : vector<4096x32xf32> to vector<4096xf32>
    %add3A_106 = arith.addf %reduce_sum3A_98, %reduce_sum3A_105 : vector<4096xf32>
    %get3A_107 = arith.constant 0 : index
    %get3A_108 = arith.constant 0 : index
    %get3A_109 = vector.load %arg11[%get3A_107, %get3A_108] : memref<1x1xf32, #tpu.memory_space<vmem>>, vector<1x1xf32>
    %get3A_110 = vector.extract %get3A_109[0, 0] : f32 from vector<1x1xf32>
    %add3A_111 = vector.broadcast %get3A_110 : f32 to vector<4096xf32>
    %add3A_112 = arith.addf %add3A_106, %add3A_111 : vector<4096xf32>
    %logistic3A = arith.negf %add3A_112 : vector<4096xf32>
    %logistic3A_113 = math.exp %logistic3A : vector<4096xf32>
    %logistic3A_114 = arith.constant 1.000000e+00 : f32
    %logistic3A_115 = vector.broadcast %logistic3A_114 : f32 to vector<4096xf32>
    %logistic3A_116 = arith.addf %logistic3A_115, %logistic3A_113 : vector<4096xf32>
    %logistic3A_117 = arith.divf %logistic3A_115, %logistic3A_116 : vector<4096xf32>
    %swap3A = arith.constant 0 : index
    %swap3A_118 = vector.load %arg12[%swap3A] : memref<4096xf32, #tpu.memory_space<vmem>>, vector<4096xf32>
    tpu.vector_store %arg12[%swap3A], %logistic3A_117 {strides = array<i32>} : memref<4096xf32, #tpu.memory_space<vmem>>, vector<4096xf32>,
    return
  }
  func.func @transform_0(%arg0: i32) -> (i32, i32) {
    %c0_i32 = arith.constant 0 : i32
    %c0_i32_0 = arith.constant 0 : i32
    return %arg0, %c0_i32 : i32, i32
  }
  func.func @transform_1(%arg0: i32) -> (i32, i32) {
    %c0_i32 = arith.constant 0 : i32
    %c0_i32_0 = arith.constant 0 : i32
    return %arg0, %c0_i32 : i32, i32
  }
  func.func @transform_2(%arg0: i32) -> (i32, i32) {
    %c0_i32 = arith.constant 0 : i32
    %c0_i32_0 = arith.constant 0 : i32
    return %arg0, %c0_i32 : i32, i32
  }
  func.func @transform_3(%arg0: i32) -> (i32, i32) {
    %c0_i32 = arith.constant 0 : i32
    %c0_i32_0 = arith.constant 0 : i32
    %c0_i32_1 = arith.constant 0 : i32
    return %c0_i32, %c0_i32_0 : i32, i32
  }
  func.func @transform_4(%arg0: i32) -> (i32, i32) {
    %c0_i32 = arith.constant 0 : i32
    %c0_i32_0 = arith.constant 0 : i32
    %c0_i32_1 = arith.constant 0 : i32
    return %c0_i32, %c0_i32_0 : i32, i32
  }
  func.func @transform_5(%arg0: i32) -> (i32, i32) {
    %c0_i32 = arith.constant 0 : i32
    %c0_i32_0 = arith.constant 0 : i32
    %c0_i32_1 = arith.constant 0 : i32
    return %c0_i32, %c0_i32_0 : i32, i32
  }
  func.func @transform_6(%arg0: i32) -> (i32, i32) {
    %c0_i32 = arith.constant 0 : i32
    %c0_i32_0 = arith.constant 0 : i32
    %c0_i32_1 = arith.constant 0 : i32
    return %c0_i32, %c0_i32_0 : i32, i32
  }
  func.func @transform_7(%arg0: i32) -> (i32, i32) {
    %c0_i32 = arith.constant 0 : i32
    %c0_i32_0 = arith.constant 0 : i32
    %c0_i32_1 = arith.constant 0 : i32
    return %c0_i32, %c0_i32_0 : i32, i32
  }
  func.func @transform_8(%arg0: i32) -> (i32, i32) {
    %c0_i32 = arith.constant 0 : i32
    %c0_i32_0 = arith.constant 0 : i32
    %c0_i32_1 = arith.constant 0 : i32
    return %c0_i32, %c0_i32_0 : i32, i32
  }
  func.func @transform_9(%arg0: i32) -> (i32, i32) {
    %c0_i32 = arith.constant 0 : i32
    %c0_i32_0 = arith.constant 0 : i32
    %c0_i32_1 = arith.constant 0 : i32
    return %c0_i32, %c0_i32_0 : i32, i32
  }
  func.func @transform_10(%arg0: i32) -> (i32, i32) {
    %c0_i32 = arith.constant 0 : i32
    %c0_i32_0 = arith.constant 0 : i32
    %c0_i32_1 = arith.constant 0 : i32
    return %c0_i32, %c0_i32_0 : i32, i32
  }
  func.func @transform_11(%arg0: i32) -> i32 {
    %c0_i32 = arith.constant 0 : i32
    return %arg0 : i32
  }
}

</mosaic_0001>

<sc_bundles>
// kernel: kernel.10.cloned.1.call-start
scs
__scs_entry_jumppad:
0x0: {  	(pc) =	sbr.rel $0x88, $3  }
0x1: {  	(tag) =	ssettag $0x0;
	lr =	simm.s32 $0x1  }
0x2: {  	[smem:$0x3F94] =	sst lr;
	_ =	strace $0xD0000000  }
0x3: {  	_ = 	snop  }
0x4: {  	_ = 	snop  }
0x5: {  	_ = 	snop  }
0x6: {  	_ = 	snop  }
0x7: {  	_ = 	snop  }
__scs_overlays_trampoline_lowered:
0x8: {  	[smem:$0x3FA3] =	sst s0  }
0x9: {  	[smem:$0x3FA4] =	sst s1  }
0xa: {  	[smem:$0x3FA5] =	sst s2  }
0xb: {  	[smem:$0x3FA6] =	sst s3  }
0xc: {  	[smem:$0x3FA7] =	sst s4  }
0xd: {  	[smem:$0x3FA8] =	sst s5  }
0xe: {  	[smem:$0x3FA9] =	sst s6  }
0xf: {  	[smem:$0x3FAA] =	sst s7  }
0x10: {  	[smem:$0x3FAB] =	sst s8  }
0x11: {  	[smem:$0x3FAC] =	sst s9;
	s0 =	simm.s32 @!p0 $0x0  }
0x12: {  	s1 =	sld [smem:$0x3F92];
	s0 =	simm.s32 @p0 $0x1  }
0x13: {  	[smem:$0x3FAD] =	sst s0;
	s0 =	simm.s32 @!p1 $0x0  }
0x14: {  	s2 =	sld [smem:$0x3F91];
	s0 =	simm.s32 @p1 $0x1  }
0x15: {  	[smem:$0x3FAE] =	sst s0;
	s0 =	simm.s32 @!p2 $0x0  }
0x16: {  	s3 =	sld [smem:$0x3FDB];
	s0 =	simm.s32 @p2 $0x1  }
0x17: {  	s4 =	simm.s32 $0x1BF5;
	[smem:$0x3FB0] =	sst s0  }
0x18: {  	s0 =	sld [smem:$0x3F93];
	_ =	swait.ge [sflag:s4], $0x0  }
0x19: {  	s7 =	sld [smem:$0x3F94]  }
0x1a: {  	s8 =	sadd.s32 $0xFFFFE003, lr  }
0x1b: {  	s9 =	sadd.s32 $0xFFFFFEF7, lr;
	s5 =	simm.s32 $0xFFFFFFFF;
	p2 =	slt.u32 s8, $0xFFFFF086  }
0x1c: {  	p1 =	slt.u32 s9, $0xF7A;
	s5 =	simm.s32 @!p2 $0x0  }
0x1d: {  	s5 =	simm.s32 @p1 $0x1;
	p0 =	seq.s32 s7, s2  }
0x1e: {  	s7 =	smul.u32 @!p0 $0xF7A, s2;
	p2 =	seq.s32 @!p0 s5, $0x0  }
0x1f: {  	s9 =	smul.u32 $0xF7A, s1;
	s8 =	simm.s32 @!p0 $0x1BF5;
	p2 =	por !p2, p0  }
0x20: {  	[sflag:s8] =	ssyncset.s32 @!p0 $0xFFFFF086;
	s6 =	sadd.s32 @!p0 s3, s7;
	s7 =	simm.s32 @!p0 $0x108  }
0x21: {  	s3 =	sadd.s32 s3, s9;
	s6 =	sadd.s32 @!p0 $0x88, s6;
	s7 =	simm.s32 @p2 $0x1082  }
0x22: {  	[simem:s7], [sflag:s8] =	dma.local @!p0 [hbm:s6], $0xF7A  }
0x23: {  	s9 =	sor.u32 $0xD0000000, s2;
	s6 =	simm.s32 $0x108;
	_ =	swait.ge @!p0 [sflag:s8], $0x0  }
0x24: {  	s3 =	sadd.s32 $0x88, s3;
	s6 =	simm.s32 @!p1 $0x1082;
	[sflag:s4] =	ssyncset.s32 $0xFFFFF086  }
0x25: {  	[simem:s6], [sflag:s4] =	dma.local [hbm:s3], $0xF7A  }
0x26: {  	[smem:$0x3F94] =	sst s1;
	(tag) =	ssettag s2;
	_ =	strace s9  }
0x27: {  	s1 =	sld [smem:$0x3FA4]  }
0x28: {  	s2 =	sld [smem:$0x3FA5]  }
0x29: {  	s4 =	sld [smem:$0x3FA7]  }
0x2a: {  	p0 =	seq.s32 s5, $0x0;
	s5 =	sld [smem:$0x3FA8]  }
0x2b: {  	s6 =	sld [smem:$0x3FA9]  }
0x2c: {  	s7 =	sld [smem:$0x3FAA]  }
0x2d: {  	s3 =	simm.s32 $0x108;
	s8 =	sld [smem:$0x3FAB]  }
0x2e: {  	s3 =	simm.s32 @!p0 $0x1082;
	s9 =	sld [smem:$0x3FAC]  }
0x2f: {  	lr =	sadd.s32 s0, s3;
	s0 =	sld [smem:$0x3FA3]  }
0x30: {  	s3 =	sld [smem:$0x3FA6]  }
0x31: {  	[smem:$0x3FAF] =	sst s10  }
0x32: {  	s10 =	sld [smem:$0x3FAD];
	_ =	sdelay $0x3  }
0x33: {  	p0 =	seq.s32 s10, $0x1;
	s10 =	sld [smem:$0x3FAF];
	_ =	sdelay $0x3  }
0x34: {  	[smem:$0x3FAF] =	sst s10  }
0x35: {  	s10 =	sld [smem:$0x3FAE];
	_ =	sdelay $0x3  }
0x36: {  	p1 =	seq.s32 s10, $0x1;
	s10 =	sld [smem:$0x3FAF];
	_ =	sdelay $0x3  }
0x37: {  	[smem:$0x3FAF] =	sst s10  }
0x38: {  	s10 =	sld [smem:$0x3FB0]  }
0x39: {  	_ = 	snop;
	(pc) =	sbr.ind lr, $3  }
0x3a: {  	_ = 	snop  }
0x3b: {  	_ = 	snop  }
0x3c: {  	p2 =	seq.s32 s10, $0x1;
	s10 =	sld [smem:$0x3FAF]  }
0x3d: {  	_ =	shalt  }
0x3e: {  	_ =	shalt  }
0x3f: {  	_ =	shalt  }
0x40: {  	_ =	shalt  }
0x41: {  	_ =	shalt  }
0x42: {  	_ =	shalt  }
0x43: {  	_ =	shalt  }
0x44: {  	_ =	shalt  }
0x45: {  	_ =	shalt  }
0x46: {  	_ =	shalt  }
0x47: {  	_ =	shalt  }
0x48: {  	_ =	shalt  }
0x49: {  	_ =	shalt  }
0x4a: {  	_ =	shalt  }
0x4b: {  	_ =	shalt  }
0x4c: {  	_ =	shalt  }
0x4d: {  	_ =	shalt  }
0x4e: {  	_ =	shalt  }
0x4f: {  	_ =	shalt  }
0x50: {  	_ =	shalt  }
0x51: {  	_ =	shalt  }
0x52: {  	_ =	shalt  }
0x53: {  	_ =	shalt  }
0x54: {  	_ =	shalt  }
0x55: {  	_ =	shalt  }
0x56: {  	_ =	shalt  }
0x57: {  	_ =	shalt  }
0x58: {  	_ =	shalt  }
0x59: {  	_ =	shalt  }
0x5a: {  	_ =	shalt  }
0x5b: {  	_ =	shalt  }
0x5c: {  	_ =	shalt  }
0x5d: {  	_ =	shalt  }
0x5e: {  	_ =	shalt  }
0x5f: {  	_ =	shalt  }
0x60: {  	_ =	shalt  }
0x61: {  	_ =	shalt  }
0x62: {  	_ =	shalt  }
0x63: {  	_ =	shalt  }
0x64: {  	_ =	shalt  }
0x65: {  	_ =	shalt  }
0x66: {  	_ =	shalt  }
0x67: {  	_ =	shalt  }
0x68: {  	_ =	shalt  }
0x69: {  	_ =	shalt  }
0x6a: {  	_ =	shalt  }
0x6b: {  	_ =	shalt  }
0x6c: {  	_ =	shalt  }
0x6d: {  	_ =	shalt  }
0x6e: {  	_ =	shalt  }
0x6f: {  	_ =	shalt  }
0x70: {  	_ =	shalt  }
0x71: {  	_ =	shalt  }
0x72: {  	_ =	shalt  }
0x73: {  	_ =	shalt  }
0x74: {  	_ =	shalt  }
0x75: {  	_ =	shalt  }
0x76: {  	_ =	shalt  }
0x77: {  	_ =	shalt  }
0x78: {  	_ =	shalt  }
0x79: {  	_ =	shalt  }
0x7a: {  	_ =	shalt  }
0x7b: {  	_ =	shalt  }
0x7c: {  	_ =	shalt  }
0x7d: {  	_ =	shalt  }
0x7e: {  	_ =	shalt  }
0x7f: {  	_ =	shalt  }
0x80: {  	_ =	shalt  }
0x81: {  	_ =	shalt  }
0x82: {  	_ =	shalt  }
0x83: {  	_ =	shalt  }
0x84: {  	_ =	shalt  }
0x85: {  	_ =	shalt  }
0x86: {  	_ =	shalt  }
0x87: {  	_ =	shalt  }
.Lfunc_end0:
.L_simem_size_0:
called_computation.1_lowered:
.L_overlay_start_0:
0x88: {  	s2 =	sld [smem:$0x3FD9]  }
0x89: {  	s3 =	sld [smem:$0x3FFE];
	_ =	sdelay $0x1  }
0x8a: {  	s1 =	srdreg.scid  }
0x8b: {  	s0 =	sand.u32 $0x1, s1  }
0x8c: {  	s17 =	sshll.u32 s0, $0xA;
	s2 =	sadd.s32 s3, s2  }
0x8d: {  	s2 =	sadd.s32 s2, s17  }
0x8e: {  	[smem:$0x3FBB] =	sst s2  }
0x8f: {  	_ = 	snop  }
0x90: {  	s2 =	sld [smem:$0x3FD0];
	(tm) =	ssettm $0x1  }
0x91: {  	s18 =	sld [smem:$0x3FFB];
	_ =	sdelay $0x3  }
0x92: {  	_ =	strace s18  }
0x93: {  	s3 =	sld [smem:$0x3FFC];
	_ =	sdelay $0x3  }
0x94: {  	_ =	strace s3  }
0x95: {  	s3 =	sld [smem:$0x3FFD];
	_ =	sdelay $0x3  }
0x96: {  	_ =	strace s3  }
0x97: {  	_ =	strace $0x8FFFFFFF  }
0x98: {  	s19 =	sld [smem:$0x3FDB];
	_ =	sdelay $0x1  }
0x99: {  	s4 =	simm.s32 $_scs_section_size  }
0x9a: {  	s5 =	simm.s32 $_size__tile_overlayer_lowered;
	s6 =	simm.s32 $_tile_overlayer_lowered  }
0x9b: {  	s22 =	simm.s32 $0x1BFF;
	s21 =	sshll.u32 s6, $0x1;
	s3 =	sadd.s32 s4, s19  }
0x9c: {  	s7 =	simm.s32 $0x0;
	s20 =	sshll.u32 s5, $0x1;
	s5 =	sadd.s32 s21, s3  }
0x9d: {  	[timem:s7], [sflag:s22] =	dma.local [hbm:s5], s20  }
0x9e: {  	_ =	swait.ge [sflag:s22], s20  }
0x9f: {  	s4 =	ssub.s32 $0x0, s20;
	[sflag:s22] =	ssyncset.done $0x0  }
0xa0: {  	[sflag:s22] =	ssyncadd.s32 s4;
	_ =	sdelay $0x1  }
0xa1: {  	s23 =	simm.s32 $0x1B8B  }
0xa2: {  	_ =	swait.ge [sflag:s23], $0x1  }
0xa3: {  	[sflag:s23] =	ssyncset.done $0x0  }
0xa4: {  	s25 =	simm.s32 $0x1B8E;
	s24 =	sld [smem:$0x3FFE];
	[sflag:s23] =	ssyncadd.s32 $0xFFFFFFFF  }
0xa5: {  	s26 =	simm.s32 $execute0_lowered;
	[smem:$0x3FD2] =	sst s25  }
0xa6: {  	s5 =	sshll.u32 s26, $0x1;
	_ =	strace $0x80000046;
	[dreg:$0x1] =	wrdreg $0xFFFFFFFF  }
0xa7: {  	s28 =	simm.s32 $_size_execute0_lowered;
	s3 =	sadd.s32 s3, s5;
	[dreg:$0x0] =	wrdreg $0x0  }
0xa8: {  	s5 =	sshll.u32 s28, $0x1;
	[dreg:$0x2] =	wrdreg s3  }
0xa9: {  	[dreg:$0x3] =	wrdreg s5  }
0xaa: {  	[dreg:$0x4] =	wrdreg $0xC0  }
0xab: {  	_ =	task [dreg:s7], $0x5FFFF  }
0xac: {  	[dreg:$0x1] =	wrdreg $0xFFFFFFFF  }
0xad: {  	[dreg:$0x0] =	wrdreg $0x60  }
0xae: {  	[dreg:$0x2] =	wrdreg s24  }
0xaf: {  	[dreg:$0x3] =	wrdreg s2  }
0xb0: {  	[dreg:$0x4] =	wrdreg $0xA  }
0xb1: {  	_ =	task.clear_ibuf [dreg:s7], $0x5FFFF;
	_ =	strace $0x90000046  }
0xb2: {  	s29 =	simm.s32 $0xA;
	_ =	strace $0x80000048  }
0xb3: {  	_ =	swait.ge [sflag:s29], $0x1  }
0xb4: {  	[sflag:s29] =	ssyncadd.s32 $0xFFFFFFFF  }
0xb5: {  	_ =	strace $0x90000048  }
0xb6: {  	_ =	sfence  }
0xb7: {  	s30 =	sld [smem:$0x0];
	_ =	sdelay $0x2  }
0xb8: {  	s31 =	sshll.u32 s1, $0xD;
	s1 =	sshrl.u32 s1, $0x2  }
0xb9: {  	s3 =	sand.u32 $0x4000, s31;
	s1 =	sadd.s32 s1, s30  }
0xba: {  	s0 =	sor.u32 s3, s0;
	s1 =	sshll.u32 s1, $0x11  }
0xbb: {  	s0 =	sor.u32 s1, s0  }
0xbc: {  	s0 =	sadd.s32 $0x8F2B, s0  }
0xbd: {  	[sflag:s0] =	ssyncadd.remote.s32 $0x1  }
0xbe: {  	_ =	sfence.sel $0xFFFF  }
0xbf: {  	[dreg:$0x0] =	wrdreg $0xFFFFFFFF;
	(pc) =	sbr.abs _section_cstart, $3  }
0xc0: {  	[dreg:$0x1] =	wrdreg $0xFFFFFFFF  }
0xc1: {  	_ =	task.clear_ibuf [dreg:s7], $0x2FFFF;
	_ =	strace $0x9FFFFFFF  }
0xc2: {  	(tm) =	ssettm $0x7FFFFFFF  }
0xc3: {  	_ =	shalt  }
tec
execute0_lowered:
.L_overlay_start_1:
0x0: {  	(tag) =	ssettag $0x1  }
0x1: {  	s1 =	srdreg.scid  }
0x2: {  	s0 =	stileid.u32;
	s20 =	sand.u32 $0x1, s1  }
0x3: {  	s31 =	sshll.u32 s0, $0x9;
	s2 =	sshll.u32 s20, $0x8  }
0x4: {  	s15 =	rddreg [dreg:$0x0];
	s16 =	sor.u32 s2, s31  }
0x5: {  	s5 =	rddreg [dreg:$0x1];
	s2 =	simm.s32 $0x0;
	s6 =	sshrl.u32 s16, $0x3  }
0x6: {  	s4 =	simm.s32 $0x3;
	[smem:$0x7FF] =	sst s2;
	s3 =	sadd.s32 s6, s15  }
0x7: {  	s1 =	rddreg [dreg:$0x2];
	_ =	strace $0x80000047;
	s3 =	sadd.s32 $0x3000, s3  }
0x8: {  	[tilespmem:s2], [sflag:$0x3] =	stream.linear.gather [hbm4b:s3+s2], $0x100, $0x38;
	[tilespmem:$0x10200] =	vst v63  }
0x9: {  	_ =	swait.ge [sflag:s4], $0x100  }
0xa: {  	[sflag:s4] =	ssyncset.done $0x0  }
0xb: {  	s5 =	sadd.s32 s5, s6;
	s6 =	simm.s32 $0x100;
	[sflag:s4] =	ssyncadd.s32 $0xFFFFFF00  }
0xc: {  	[tilespmem:s6], [sflag:$0x3] =	stream.linear.gather [hbm4b:s5+s2], $0x100, $0x38;
	[tilespmem:$0x10200] =	vst v63  }
0xd: {  	_ =	swait.ge [sflag:s4], $0x100  }
0xe: {  	s8 =	simm.s32 $0x80;
	[sflag:s4] =	ssyncset.done $0x0  }
0xf: {  	s9 =	simm.s32 $0x200;
	s7 =	sadd.s32 $0x3400, s15;
	[sflag:s4] =	ssyncadd.s32 $0xFFFFFF00  }
0x10: {  	[tilespmem:s9], [sflag:$0x1] =	stream.indirect.gather [hbm4b:s7+s8], $0x80, s2, s8, $0xb8;
	[tilespmem:$0x10200] =	vst v63  }
0x11: {  	s10 =	simm.s32 $0x8200  }
0x12: {  	[tilespmem:s10], [sflag:$0x1] =	stream.indirect.gather [hbm4b:s7+s8], $0x80, s6, s8, $0xb8;
	[tilespmem:$0x10200] =	vst v63  }
0x13: {  	s11 =	simm.s32 $0x4200  }
0x14: {  	[tilespmem:s11], [sflag:$0x1] =	stream.indirect.gather [hbm4b:s7+s8], $0x80, s8, s8, $0xb8;
	[tilespmem:$0x10200] =	vst v63  }
0x15: {  	s12 =	simm.s32 $0x180;
	s13 =	simm.s32 $0xC200;
	s14 =	simm.s32 $0x1  }
0x16: {  	[tilespmem:s13], [sflag:$0x1] =	stream.indirect.gather [hbm4b:s7+s8], $0x80, s12, s8, $0xb8;
	[tilespmem:$0x10200] =	vst v63  }
0x17: {  	_ =	swait.ge [sflag:s14], $0x4000  }
0x18: {  	[sflag:s14] =	ssyncset.done $0x0  }
0x19: {  	[sflag:s14] =	ssyncadd.s32 $0xFFFFC000  }
0x1a: {  	_ =	swait.ge [sflag:s14], $0x4000  }
0x1b: {  	[sflag:s14] =	ssyncset.done $0x0  }
0x1c: {  	[sflag:s14] =	ssyncadd.s32 $0xFFFFC000  }
0x1d: {  	_ =	swait.ge [sflag:s14], $0x4000  }
0x1e: {  	[sflag:s14] =	ssyncset.done $0x0  }
0x1f: {  	[sflag:s14] =	ssyncadd.s32 $0xFFFFC000  }
0x20: {  	_ =	swait.ge [sflag:s14], $0x4000  }
0x21: {  	s17 =	sadd.s32 $0xC6A00, s15;
	s18 =	sshll.u32 s16, $0x4;
	[sflag:s14] =	ssyncset.done $0x0  }
0x22: {  	s19 =	sadd.s32 $0xE6A00, s15;
	s15 =	sadd.s32 s17, s18;
	[sflag:s14] =	ssyncadd.s32 $0xFFFFC000  }
0x23: {  	[hbm4b:s15+s2] =	stream.linear.scatter [tilespmem:s9], [sflag:$0x2], $0x4000, $0x38;
	[tilespmem:$0x10200] =	vst v63  }
0x24: {  	s16 =	sadd.s32 s19, s18;
	s18 =	sor.u32 $0x800, s18  }
0x25: {  	[hbm4b:s16+s2] =	stream.linear.scatter [tilespmem:s10], [sflag:$0x2], $0x4000, $0x38;
	[tilespmem:$0x10200] =	vst v63  }
0x26: {  	s17 =	sadd.s32 s17, s18  }
0x27: {  	[hbm4b:s17+s2] =	stream.linear.scatter [tilespmem:s11], [sflag:$0x2], $0x4000, $0x38;
	[tilespmem:$0x10200] =	vst v63  }
0x28: {  	s19 =	sadd.s32 s19, s18;
	s18 =	simm.s32 $0x2  }
0x29: {  	[hbm4b:s19+s2] =	stream.linear.scatter [tilespmem:s13], [sflag:$0x2], $0x4000, $0x38;
	[tilespmem:$0x10200] =	vst v63  }
0x2a: {  	_ =	swait.ge [sflag:s18], $0x4000  }
0x2b: {  	s20 =	ssub.s32 $0x2, s20;
	[sflag:s18] =	ssyncset.done $0x0  }
0x2c: {  	s21 =	sshrl.u32 s20, $0x1;
	[sflag:s18] =	ssyncadd.s32 $0xFFFFC000  }
0x2d: {  	s20 =	ssub.s32 s20, s21;
	_ =	swait.ge [sflag:s18], $0x4000  }
0x2e: {  	s20 =	smax.u32 s20, $0x1;
	[sflag:s18] =	ssyncset.done $0x0  }
0x2f: {  	p0 =	sne.s32 s20, $0x1;
	[sflag:s18] =	ssyncadd.s32 $0xFFFFC000  }
.Ltmp0:
0x30: {  	_ =	swait.ge [sflag:s18], $0x4000;
	(pc) =	sbr.rel @!p0 .LBB2_2-.Ltmp0, $4  }
0x31: {  	[sflag:s18] =	ssyncset.done $0x0  }
0x32: {  	[sflag:s18] =	ssyncadd.s32 $0xFFFFC000  }
0x33: {  	_ =	swait.ge [sflag:s18], $0x4000  }
0x34: {  	s20 =	sadd.s32 $0xFFFFFFFF, s20;
	[sflag:s18] =	ssyncset.done $0x0  }
.LBB2_1:
0x35: {  	p0 =	sne.s32 s20, $0x1;
	s20 =	sadd.s32 $0xFFFFFFFF, s20;
	[sflag:s18] =	ssyncadd.s32 $0xFFFFC000  }
0x36: {  	[tilespmem:s2], [sflag:$0x3] =	stream.linear.gather [hbm4b:s3+s2], $0x100, $0x38;
	[tilespmem:$0x10200] =	vst v63  }
0x37: {  	_ =	swait.ge [sflag:s4], $0x100  }
0x38: {  	[sflag:s4] =	ssyncset.done $0x0  }
0x39: {  	[sflag:s4] =	ssyncadd.s32 $0xFFFFFF00  }
0x3a: {  	[tilespmem:s6], [sflag:$0x3] =	stream.linear.gather [hbm4b:s5+s2], $0x100, $0x38;
	[tilespmem:$0x10200] =	vst v63  }
0x3b: {  	_ =	swait.ge [sflag:s4], $0x100  }
0x3c: {  	[sflag:s4] =	ssyncset.done $0x0  }
0x3d: {  	[sflag:s4] =	ssyncadd.s32 $0xFFFFFF00  }
0x3e: {  	[tilespmem:s9], [sflag:$0x1] =	stream.indirect.gather [hbm4b:s7+s8], $0x80, s2, s8, $0xb8;
	[tilespmem:$0x10200] =	vst v63  }
0x3f: {  	_ = 	snop  }
0x40: {  	[tilespmem:s10], [sflag:$0x1] =	stream.indirect.gather [hbm4b:s7+s8], $0x80, s6, s8, $0xb8;
	[tilespmem:$0x10200] =	vst v63  }
0x41: {  	_ = 	snop  }
0x42: {  	[tilespmem:s11], [sflag:$0x1] =	stream.indirect.gather [hbm4b:s7+s8], $0x80, s8, s8, $0xb8;
	[tilespmem:$0x10200] =	vst v63  }
0x43: {  	_ = 	snop  }
0x44: {  	[tilespmem:s13], [sflag:$0x1] =	stream.indirect.gather [hbm4b:s7+s8], $0x80, s12, s8, $0xb8;
	[tilespmem:$0x10200] =	vst v63  }
0x45: {  	_ =	swait.ge [sflag:s14], $0x4000  }
0x46: {  	[sflag:s14] =	ssyncset.done $0x0  }
0x47: {  	[sflag:s14] =	ssyncadd.s32 $0xFFFFC000  }
0x48: {  	_ =	swait.ge [sflag:s14], $0x4000  }
0x49: {  	[sflag:s14] =	ssyncset.done $0x0  }
0x4a: {  	[sflag:s14] =	ssyncadd.s32 $0xFFFFC000  }
0x4b: {  	_ =	swait.ge [sflag:s14], $0x4000  }
0x4c: {  	[sflag:s14] =	ssyncset.done $0x0  }
0x4d: {  	[sflag:s14] =	ssyncadd.s32 $0xFFFFC000  }
0x4e: {  	_ =	swait.ge [sflag:s14], $0x4000  }
0x4f: {  	[sflag:s14] =	ssyncset.done $0x0  }
0x50: {  	[sflag:s14] =	ssyncadd.s32 $0xFFFFC000  }
0x51: {  	[hbm4b:s15+s2] =	stream.linear.scatter [tilespmem:s9], [sflag:$0x2], $0x4000, $0x38;
	[tilespmem:$0x10200] =	vst v63  }
0x52: {  	_ = 	snop  }
0x53: {  	[hbm4b:s16+s2] =	stream.linear.scatter [tilespmem:s10], [sflag:$0x2], $0x4000, $0x38;
	[tilespmem:$0x10200] =	vst v63  }
0x54: {  	_ = 	snop  }
0x55: {  	[hbm4b:s17+s2] =	stream.linear.scatter [tilespmem:s11], [sflag:$0x2], $0x4000, $0x38;
	[tilespmem:$0x10200] =	vst v63  }
0x56: {  	_ = 	snop  }
0x57: {  	[hbm4b:s19+s2] =	stream.linear.scatter [tilespmem:s13], [sflag:$0x2], $0x4000, $0x38;
	[tilespmem:$0x10200] =	vst v63  }
0x58: {  	_ =	swait.ge [sflag:s18], $0x4000  }
0x59: {  	[sflag:s18] =	ssyncset.done $0x0  }
0x5a: {  	[sflag:s18] =	ssyncadd.s32 $0xFFFFC000  }
0x5b: {  	_ =	swait.ge [sflag:s18], $0x4000  }
0x5c: {  	[sflag:s18] =	ssyncset.done $0x0  }
0x5d: {  	[sflag:s18] =	ssyncadd.s32 $0xFFFFC000  }
.Ltmp1:
0x5e: {  	_ =	swait.ge [sflag:s18], $0x4000;
	(pc) =	sbr.rel @p0 .LBB2_1-.Ltmp1, $4  }
0x5f: {  	[sflag:s18] =	ssyncset.done $0x0  }
0x60: {  	[sflag:s18] =	ssyncadd.s32 $0xFFFFC000  }
0x61: {  	_ =	swait.ge [sflag:s18], $0x4000  }
0x62: {  	[sflag:s18] =	ssyncset.done $0x0  }
.LBB2_2:
0x63: {  	[sflag:s18] =	ssyncadd.s32 $0xFFFFC000  }
0x64: {  	_ =	sfence.sel $0x180000  }
0x65: {  	[bflag:$0x0] =	sbarrier.arrive $0xFFFF  }
0x66: {  	p0 =	sne.s32 s0, $0x0;
	_ =	strace $0x90000047  }
0x67: {  	s0 =	sadd.s32 @!p0 $0x100000, s1;
	[bflag:$0x2] =	sbarrier.arrive $0xFFFF  }
0x68: {  	[sflag:s0] =	ssyncadd.tile.s32 @!p0 $0x1;
	_ =	shalt  }
.Lfunc_end2:
_tile_overlayer_lowered:
.L_overlay_start_2:
0x69: {  	(tag) =	ssettag $0x2  }
0x6a: {  	s0 =	rddreg [dreg:$0x0];
	s2 =	stileid.u32  }
0x6b: {  	s1 =	rddreg [dreg:$0x1];
	p0 =	sne.s32 s2, $0x0  }
0x6c: {  	s3 =	rddreg [dreg:$0x2];
	[bflag:$0x3] =	sbarrier.arrive $0xFFFF;
	s2 =	simm.s32 @!p0 $0x1C03  }
0x6d: {  	[timem:s3], [sflag:s2] =	dma.local @!p0 [hbm:s0], s1  }
0x6e: {  	s0 =	simm.s32 @!p0 $0x3  }
0x6f: {  	_ =	swait.ge @!p0 [sflag:s0], s1  }
0x70: {  	s1 =	ssub.s32 @!p0 $0x0, s1;
	[sflag:s0] =	ssyncset.done @!p0 $0x0  }
0x71: {  	[sflag:s0] =	ssyncadd.s32 @!p0 s1  }
0x72: {  	[bflag:$0x3] =	sbarrier.arrive $0xFFFF  }
0x73: {  	_ =	shalt  }

// kernel: kernel.7.cloned.1.call-start
scs
__scs_entry_jumppad:
0x0: {  	(pc) =	sbr.rel $0x88, $3  }
0x1: {  	(tag) =	ssettag $0x0;
	lr =	simm.s32 $0x1  }
0x2: {  	[smem:$0x3F94] =	sst lr;
	_ =	strace $0xD0000000  }
0x3: {  	_ = 	snop  }
0x4: {  	_ = 	snop  }
0x5: {  	_ = 	snop  }
0x6: {  	_ = 	snop  }
0x7: {  	_ = 	snop  }
__scs_overlays_trampoline_lowered:
0x8: {  	[smem:$0x3FA3] =	sst s0  }
0x9: {  	[smem:$0x3FA4] =	sst s1  }
0xa: {  	[smem:$0x3FA5] =	sst s2  }
0xb: {  	[smem:$0x3FA6] =	sst s3  }
0xc: {  	[smem:$0x3FA7] =	sst s4  }
0xd: {  	[smem:$0x3FA8] =	sst s5  }
0xe: {  	[smem:$0x3FA9] =	sst s6  }
0xf: {  	[smem:$0x3FAA] =	sst s7  }
0x10: {  	[smem:$0x3FAB] =	sst s8  }
0x11: {  	[smem:$0x3FAC] =	sst s9;
	s0 =	simm.s32 @!p0 $0x0  }
0x12: {  	s1 =	sld [smem:$0x3F92];
	s0 =	simm.s32 @p0 $0x1  }
0x13: {  	[smem:$0x3FAD] =	sst s0;
	s0 =	simm.s32 @!p1 $0x0  }
0x14: {  	s2 =	sld [smem:$0x3F91];
	s0 =	simm.s32 @p1 $0x1  }
0x15: {  	[smem:$0x3FAE] =	sst s0;
	s0 =	simm.s32 @!p2 $0x0  }
0x16: {  	s3 =	sld [smem:$0x3FDB];
	s0 =	simm.s32 @p2 $0x1  }
0x17: {  	s4 =	simm.s32 $0x1BF5;
	[smem:$0x3FB0] =	sst s0  }
0x18: {  	s0 =	sld [smem:$0x3F93];
	_ =	swait.ge [sflag:s4], $0x0  }
0x19: {  	s7 =	sld [smem:$0x3F94]  }
0x1a: {  	s8 =	sadd.s32 $0xFFFFE003, lr  }
0x1b: {  	s9 =	sadd.s32 $0xFFFFFEF7, lr;
	s5 =	simm.s32 $0xFFFFFFFF;
	p2 =	slt.u32 s8, $0xFFFFF086  }
0x1c: {  	p1 =	slt.u32 s9, $0xF7A;
	s5 =	simm.s32 @!p2 $0x0  }
0x1d: {  	s5 =	simm.s32 @p1 $0x1;
	p0 =	seq.s32 s7, s2  }
0x1e: {  	s7 =	smul.u32 @!p0 $0xF7A, s2;
	p2 =	seq.s32 @!p0 s5, $0x0  }
0x1f: {  	s9 =	smul.u32 $0xF7A, s1;
	s8 =	simm.s32 @!p0 $0x1BF5;
	p2 =	por !p2, p0  }
0x20: {  	[sflag:s8] =	ssyncset.s32 @!p0 $0xFFFFF086;
	s6 =	sadd.s32 @!p0 s3, s7;
	s7 =	simm.s32 @!p0 $0x108  }
0x21: {  	s3 =	sadd.s32 s3, s9;
	s6 =	sadd.s32 @!p0 $0x88, s6;
	s7 =	simm.s32 @p2 $0x1082  }
0x22: {  	[simem:s7], [sflag:s8] =	dma.local @!p0 [hbm:s6], $0xF7A  }
0x23: {  	s9 =	sor.u32 $0xD0000000, s2;
	s6 =	simm.s32 $0x108;
	_ =	swait.ge @!p0 [sflag:s8], $0x0  }
0x24: {  	s3 =	sadd.s32 $0x88, s3;
	s6 =	simm.s32 @!p1 $0x1082;
	[sflag:s4] =	ssyncset.s32 $0xFFFFF086  }
0x25: {  	[simem:s6], [sflag:s4] =	dma.local [hbm:s3], $0xF7A  }
0x26: {  	[smem:$0x3F94] =	sst s1;
	(tag) =	ssettag s2;
	_ =	strace s9  }
0x27: {  	s1 =	sld [smem:$0x3FA4]  }
0x28: {  	s2 =	sld [smem:$0x3FA5]  }
0x29: {  	s4 =	sld [smem:$0x3FA7]  }
0x2a: {  	p0 =	seq.s32 s5, $0x0;
	s5 =	sld [smem:$0x3FA8]  }
0x2b: {  	s6 =	sld [smem:$0x3FA9]  }
0x2c: {  	s7 =	sld [smem:$0x3FAA]  }
0x2d: {  	s3 =	simm.s32 $0x108;
	s8 =	sld [smem:$0x3FAB]  }
0x2e: {  	s3 =	simm.s32 @!p0 $0x1082;
	s9 =	sld [smem:$0x3FAC]  }
0x2f: {  	lr =	sadd.s32 s0, s3;
	s0 =	sld [smem:$0x3FA3]  }
0x30: {  	s3 =	sld [smem:$0x3FA6]  }
0x31: {  	[smem:$0x3FAF] =	sst s10  }
0x32: {  	s10 =	sld [smem:$0x3FAD];
	_ =	sdelay $0x3  }
0x33: {  	p0 =	seq.s32 s10, $0x1;
	s10 =	sld [smem:$0x3FAF];
	_ =	sdelay $0x3  }
0x34: {  	[smem:$0x3FAF] =	sst s10  }
0x35: {  	s10 =	sld [smem:$0x3FAE];
	_ =	sdelay $0x3  }
0x36: {  	p1 =	seq.s32 s10, $0x1;
	s10 =	sld [smem:$0x3FAF];
	_ =	sdelay $0x3  }
0x37: {  	[smem:$0x3FAF] =	sst s10  }
0x38: {  	s10 =	sld [smem:$0x3FB0]  }
0x39: {  	_ = 	snop;
	(pc) =	sbr.ind lr, $3  }
0x3a: {  	_ = 	snop  }
0x3b: {  	_ = 	snop  }
0x3c: {  	p2 =	seq.s32 s10, $0x1;
	s10 =	sld [smem:$0x3FAF]  }
0x3d: {  	_ =	shalt  }
0x3e: {  	_ =	shalt  }
0x3f: {  	_ =	shalt  }
0x40: {  	_ =	shalt  }
0x41: {  	_ =	shalt  }
0x42: {  	_ =	shalt  }
0x43: {  	_ =	shalt  }
0x44: {  	_ =	shalt  }
0x45: {  	_ =	shalt  }
0x46: {  	_ =	shalt  }
0x47: {  	_ =	shalt  }
0x48: {  	_ =	shalt  }
0x49: {  	_ =	shalt  }
0x4a: {  	_ =	shalt  }
0x4b: {  	_ =	shalt  }
0x4c: {  	_ =	shalt  }
0x4d: {  	_ =	shalt  }
0x4e: {  	_ =	shalt  }
0x4f: {  	_ =	shalt  }
0x50: {  	_ =	shalt  }
0x51: {  	_ =	shalt  }
0x52: {  	_ =	shalt  }
0x53: {  	_ =	shalt  }
0x54: {  	_ =	shalt  }
0x55: {  	_ =	shalt  }
0x56: {  	_ =	shalt  }
0x57: {  	_ =	shalt  }
0x58: {  	_ =	shalt  }
0x59: {  	_ =	shalt  }
0x5a: {  	_ =	shalt  }
0x5b: {  	_ =	shalt  }
0x5c: {  	_ =	shalt  }
0x5d: {  	_ =	shalt  }
0x5e: {  	_ =	shalt  }
0x5f: {  	_ =	shalt  }
0x60: {  	_ =	shalt  }
0x61: {  	_ =	shalt  }
0x62: {  	_ =	shalt  }
0x63: {  	_ =	shalt  }
0x64: {  	_ =	shalt  }
0x65: {  	_ =	shalt  }
0x66: {  	_ =	shalt  }
0x67: {  	_ =	shalt  }
0x68: {  	_ =	shalt  }
0x69: {  	_ =	shalt  }
0x6a: {  	_ =	shalt  }
0x6b: {  	_ =	shalt  }
0x6c: {  	_ =	shalt  }
0x6d: {  	_ =	shalt  }
0x6e: {  	_ =	shalt  }
0x6f: {  	_ =	shalt  }
0x70: {  	_ =	shalt  }
0x71: {  	_ =	shalt  }
0x72: {  	_ =	shalt  }
0x73: {  	_ =	shalt  }
0x74: {  	_ =	shalt  }
0x75: {  	_ =	shalt  }
0x76: {  	_ =	shalt  }
0x77: {  	_ =	shalt  }
0x78: {  	_ =	shalt  }
0x79: {  	_ =	shalt  }
0x7a: {  	_ =	shalt  }
0x7b: {  	_ =	shalt  }
0x7c: {  	_ =	shalt  }
0x7d: {  	_ =	shalt  }
0x7e: {  	_ =	shalt  }
0x7f: {  	_ =	shalt  }
0x80: {  	_ =	shalt  }
0x81: {  	_ =	shalt  }
0x82: {  	_ =	shalt  }
0x83: {  	_ =	shalt  }
0x84: {  	_ =	shalt  }
0x85: {  	_ =	shalt  }
0x86: {  	_ =	shalt  }
0x87: {  	_ =	shalt  }
.Lfunc_end0:
.L_simem_size_0:
called_computation_lowered:
.L_overlay_start_0:
0x88: {  	s2 =	sld [smem:$0x3FD9]  }
0x89: {  	s3 =	sld [smem:$0x3FFE];
	_ =	sdelay $0x1  }
0x8a: {  	s1 =	srdreg.scid  }
0x8b: {  	s0 =	sand.u32 $0x1, s1  }
0x8c: {  	s17 =	sshll.u32 s0, $0xA;
	s2 =	sadd.s32 s3, s2  }
0x8d: {  	s2 =	sadd.s32 s2, s17  }
0x8e: {  	[smem:$0x3FBB] =	sst s2  }
0x8f: {  	_ = 	snop  }
0x90: {  	(tm) =	ssettm $0x1  }
0x91: {  	s18 =	sld [smem:$0x3FFB];
	_ =	sdelay $0x3  }
0x92: {  	_ =	strace s18  }
0x93: {  	s2 =	sld [smem:$0x3FFC];
	_ =	sdelay $0x3  }
0x94: {  	_ =	strace s2  }
0x95: {  	s2 =	sld [smem:$0x3FFD];
	_ =	sdelay $0x3  }
0x96: {  	_ =	strace s2  }
0x97: {  	_ =	strace $0x8FFFFFFF  }
0x98: {  	s19 =	sld [smem:$0x3FDB];
	_ =	sdelay $0x1  }
0x99: {  	s20 =	simm.s32 $_scs_section_size  }
0x9a: {  	s4 =	simm.s32 $_size__tile_overlayer_lowered;
	s5 =	simm.s32 $_tile_overlayer_lowered  }
0x9b: {  	s6 =	simm.s32 $0x1BFF;
	s21 =	sshll.u32 s5, $0x1;
	s3 =	sadd.s32 s20, s19  }
0x9c: {  	s22 =	simm.s32 $0x0;
	s4 =	sshll.u32 s4, $0x1;
	s5 =	sadd.s32 s21, s3  }
0x9d: {  	[timem:s22], [sflag:s6] =	dma.local [hbm:s5], s4  }
0x9e: {  	_ =	swait.ge [sflag:s6], s4  }
0x9f: {  	s4 =	ssub.s32 $0x0, s4;
	[sflag:s6] =	ssyncset.done $0x0  }
0xa0: {  	[sflag:s6] =	ssyncadd.s32 s4;
	_ =	sdelay $0x1  }
0xa1: {  	s23 =	simm.s32 $0x1B8B  }
0xa2: {  	_ =	swait.ge [sflag:s23], $0x1  }
0xa3: {  	[sflag:s23] =	ssyncset.done $0x0  }
0xa4: {  	[sflag:s23] =	ssyncadd.s32 $0xFFFFFFFF  }
0xa5: {  	s4 =	sld [smem:$0x0]  }
0xa6: {  	s5 =	sand.u32 $0xFFFFFFFE, s1  }
0xa7: {  	p0 =	sne.s32 s1, s5  }
0xa8: {  	s5 =	sshll.u32 @p0 s5, $0xE  }
0xa9: {  	s5 =	sadd.s32 @p0 $0x11B8D, s5;
	s6 =	sshll.u32 @p0 s4, $0x11  }
0xaa: {  	s5 =	sor.u32 @p0 s6, s5  }
0xab: {  	[sflag:s5] =	ssyncadd.remote.s32 @p0 $0x1;
	_ =	sdelay $0x1  }
0xac: {  	s5 =	simm.s32 @p0 $0x1B8D  }
0xad: {  	_ =	swait.eq @p0 [sflag:s5], $0x1  }
0xae: {  	[sflag:s5] =	ssyncadd.s32 @p0 $0xFFFFFFFF  }
0xaf: {  	s6 =	sshll.u32 @!p0 s1, $0xE  }
0xb0: {  	s6 =	sor.u32 @!p0 $0x4000, s6;
	s5 =	simm.s32 @!p0 $0x1B8D  }
0xb1: {  	s4 =	sshll.u32 @!p0 s4, $0x11;
	s6 =	sadd.s32 @!p0 $0x11B8D, s6;
	_ =	swait.eq @!p0 [sflag:s5], $0x1  }
0xb2: {  	s4 =	sor.u32 @!p0 s4, s6;
	[sflag:s5] =	ssyncadd.s32 @!p0 $0xFFFFFFFF  }
0xb3: {  	s25 =	simm.s32 $0x1B8E;
	s24 =	sld [smem:$0x3FFE];
	[sflag:s4] =	ssyncadd.remote.s32 @!p0 $0x1  }
0xb4: {  	s26 =	simm.s32 $execute0_lowered;
	[smem:$0x3FD2] =	sst s25  }
0xb5: {  	s5 =	sshll.u32 s26, $0x1;
	_ =	strace $0x80000049;
	[dreg:$0x1] =	wrdreg $0xFFFFFFFF  }
0xb6: {  	s28 =	simm.s32 $_size_execute0_lowered;
	s3 =	sadd.s32 s3, s5;
	[dreg:$0x0] =	wrdreg $0x0  }
0xb7: {  	s5 =	sshll.u32 s28, $0x1;
	[dreg:$0x2] =	wrdreg s3  }
0xb8: {  	[dreg:$0x3] =	wrdreg s5  }
0xb9: {  	[dreg:$0x4] =	wrdreg $0xC0  }
0xba: {  	_ =	task [dreg:s22], $0x5FFFF  }
0xbb: {  	[dreg:$0x1] =	wrdreg $0xFFFFFFFF  }
0xbc: {  	[dreg:$0x0] =	wrdreg $0x60  }
0xbd: {  	[dreg:$0x2] =	wrdreg s24  }
0xbe: {  	[dreg:$0x3] =	wrdreg $0x9  }
0xbf: {  	_ =	task.clear_ibuf [dreg:s22], $0x4FFFF;
	_ =	strace $0x90000049  }
0xc0: {  	s29 =	simm.s32 $0x9;
	_ =	strace $0x8000004B  }
0xc1: {  	_ =	swait.ge [sflag:s29], $0x1  }
0xc2: {  	[sflag:s29] =	ssyncadd.s32 $0xFFFFFFFF  }
0xc3: {  	_ =	strace $0x9000004B  }
0xc4: {  	_ =	sfence  }
0xc5: {  	s30 =	sld [smem:$0x0];
	_ =	sdelay $0x2  }
0xc6: {  	s31 =	sshll.u32 s1, $0xD;
	s1 =	sshrl.u32 s1, $0x2  }
0xc7: {  	s4 =	sand.u32 $0x4000, s31;
	s1 =	sadd.s32 s1, s30  }
0xc8: {  	s0 =	sor.u32 s4, s0;
	s1 =	sshll.u32 s1, $0x11  }
0xc9: {  	s0 =	sor.u32 s1, s0  }
0xca: {  	s0 =	sadd.s32 $0x8F2B, s0  }
0xcb: {  	[sflag:s0] =	ssyncadd.remote.s32 $0x1  }
0xcc: {  	_ =	sfence.sel $0xFFFF  }
0xcd: {  	[dreg:$0x0] =	wrdreg $0xFFFFFFFF;
	(pc) =	sbr.abs _section_cstart, $3  }
0xce: {  	[dreg:$0x1] =	wrdreg $0xFFFFFFFF  }
0xcf: {  	_ =	task.clear_ibuf [dreg:s22], $0x2FFFF;
	_ =	strace $0x9FFFFFFF  }
0xd0: {  	(tm) =	ssettm $0x7FFFFFFF  }
0xd1: {  	_ =	shalt  }
tec
execute0_lowered:
.L_overlay_start_1:
0x0: {  	(tag) =	ssettag $0x1  }
0x1: {  	s1 =	srdreg.scid  }
0x2: {  	s0 =	stileid.u32;
	s20 =	sand.u32 $0x1, s1  }
0x3: {  	s31 =	sshll.u32 s0, $0x9;
	s2 =	sshll.u32 s20, $0x8  }
0x4: {  	s16 =	sor.u32 s2, s31  }
0x5: {  	s15 =	rddreg [dreg:$0x0];
	s2 =	simm.s32 $0x0;
	s3 =	sshrl.u32 s16, $0x3  }
0x6: {  	s4 =	simm.s32 $0x3;
	[smem:$0x7FF] =	sst s2;
	s5 =	sadd.s32 s3, s15  }
0x7: {  	s1 =	rddreg [dreg:$0x1];
	_ =	strace $0x8000004A;
	s3 =	sadd.s32 $0x106A00, s5  }
0x8: {  	[tilespmem:s2], [sflag:$0x3] =	stream.linear.gather [hbm4b:s3+s2], $0x100, $0x38;
	[tilespmem:$0x10200] =	vst v63  }
0x9: {  	_ =	swait.ge [sflag:s4], $0x100  }
0xa: {  	[sflag:s4] =	ssyncset.done $0x0  }
0xb: {  	s6 =	simm.s32 $0x100;
	s5 =	sadd.s32 $0x106E00, s5;
	[sflag:s4] =	ssyncadd.s32 $0xFFFFFF00  }
0xc: {  	[tilespmem:s6], [sflag:$0x3] =	stream.linear.gather [hbm4b:s5+s2], $0x100, $0x38;
	[tilespmem:$0x10200] =	vst v63  }
0xd: {  	_ =	swait.ge [sflag:s4], $0x100  }
0xe: {  	s8 =	simm.s32 $0x80;
	[sflag:s4] =	ssyncset.done $0x0  }
0xf: {  	s9 =	simm.s32 $0x200;
	s7 =	sadd.s32 $0x3400, s15;
	[sflag:s4] =	ssyncadd.s32 $0xFFFFFF00  }
0x10: {  	[tilespmem:s9], [sflag:$0x1] =	stream.indirect.gather [hbm4b:s7+s8], $0x80, s2, s8, $0xb8;
	[tilespmem:$0x10200] =	vst v63  }
0x11: {  	s10 =	simm.s32 $0x8200  }
0x12: {  	[tilespmem:s10], [sflag:$0x1] =	stream.indirect.gather [hbm4b:s7+s8], $0x80, s6, s8, $0xb8;
	[tilespmem:$0x10200] =	vst v63  }
0x13: {  	s11 =	simm.s32 $0x4200  }
0x14: {  	[tilespmem:s11], [sflag:$0x1] =	stream.indirect.gather [hbm4b:s7+s8], $0x80, s8, s8, $0xb8;
	[tilespmem:$0x10200] =	vst v63  }
0x15: {  	s12 =	simm.s32 $0x180;
	s13 =	simm.s32 $0xC200;
	s14 =	simm.s32 $0x1  }
0x16: {  	[tilespmem:s13], [sflag:$0x1] =	stream.indirect.gather [hbm4b:s7+s8], $0x80, s12, s8, $0xb8;
	[tilespmem:$0x10200] =	vst v63  }
0x17: {  	_ =	swait.ge [sflag:s14], $0x4000  }
0x18: {  	[sflag:s14] =	ssyncset.done $0x0  }
0x19: {  	[sflag:s14] =	ssyncadd.s32 $0xFFFFC000  }
0x1a: {  	_ =	swait.ge [sflag:s14], $0x4000  }
0x1b: {  	[sflag:s14] =	ssyncset.done $0x0  }
0x1c: {  	[sflag:s14] =	ssyncadd.s32 $0xFFFFC000  }
0x1d: {  	_ =	swait.ge [sflag:s14], $0x4000  }
0x1e: {  	[sflag:s14] =	ssyncset.done $0x0  }
0x1f: {  	[sflag:s14] =	ssyncadd.s32 $0xFFFFC000  }
0x20: {  	_ =	swait.ge [sflag:s14], $0x4000  }
0x21: {  	s17 =	sadd.s32 $0x107200, s15;
	s18 =	sshll.u32 s16, $0x4;
	[sflag:s14] =	ssyncset.done $0x0  }
0x22: {  	s19 =	sadd.s32 $0x127200, s15;
	s15 =	sadd.s32 s17, s18;
	[sflag:s14] =	ssyncadd.s32 $0xFFFFC000  }
0x23: {  	[hbm4b:s15+s2] =	stream.linear.scatter [tilespmem:s9], [sflag:$0x2], $0x4000, $0x38;
	[tilespmem:$0x10200] =	vst v63  }
0x24: {  	s16 =	sadd.s32 s19, s18;
	s18 =	sor.u32 $0x800, s18  }
0x25: {  	[hbm4b:s16+s2] =	stream.linear.scatter [tilespmem:s10], [sflag:$0x2], $0x4000, $0x38;
	[tilespmem:$0x10200] =	vst v63  }
0x26: {  	s17 =	sadd.s32 s17, s18  }
0x27: {  	[hbm4b:s17+s2] =	stream.linear.scatter [tilespmem:s11], [sflag:$0x2], $0x4000, $0x38;
	[tilespmem:$0x10200] =	vst v63  }
0x28: {  	s19 =	sadd.s32 s19, s18;
	s18 =	simm.s32 $0x2  }
0x29: {  	[hbm4b:s19+s2] =	stream.linear.scatter [tilespmem:s13], [sflag:$0x2], $0x4000, $0x38;
	[tilespmem:$0x10200] =	vst v63  }
0x2a: {  	_ =	swait.ge [sflag:s18], $0x4000  }
0x2b: {  	s20 =	ssub.s32 $0x2, s20;
	[sflag:s18] =	ssyncset.done $0x0  }
0x2c: {  	s21 =	sshrl.u32 s20, $0x1;
	[sflag:s18] =	ssyncadd.s32 $0xFFFFC000  }
0x2d: {  	s20 =	ssub.s32 s20, s21;
	_ =	swait.ge [sflag:s18], $0x4000  }
0x2e: {  	s20 =	smax.u32 s20, $0x1;
	[sflag:s18] =	ssyncset.done $0x0  }
0x2f: {  	p0 =	sne.s32 s20, $0x1;
	[sflag:s18] =	ssyncadd.s32 $0xFFFFC000  }
.Ltmp0:
0x30: {  	_ =	swait.ge [sflag:s18], $0x4000;
	(pc) =	sbr.rel @!p0 .LBB2_2-.Ltmp0, $4  }
0x31: {  	[sflag:s18] =	ssyncset.done $0x0  }
0x32: {  	[sflag:s18] =	ssyncadd.s32 $0xFFFFC000  }
0x33: {  	_ =	swait.ge [sflag:s18], $0x4000  }
0x34: {  	s20 =	sadd.s32 $0xFFFFFFFF, s20;
	[sflag:s18] =	ssyncset.done $0x0  }
.LBB2_1:
0x35: {  	p0 =	sne.s32 s20, $0x1;
	s20 =	sadd.s32 $0xFFFFFFFF, s20;
	[sflag:s18] =	ssyncadd.s32 $0xFFFFC000  }
0x36: {  	[tilespmem:s2], [sflag:$0x3] =	stream.linear.gather [hbm4b:s3+s2], $0x100, $0x38;
	[tilespmem:$0x10200] =	vst v63  }
0x37: {  	_ =	swait.ge [sflag:s4], $0x100  }
0x38: {  	[sflag:s4] =	ssyncset.done $0x0  }
0x39: {  	[sflag:s4] =	ssyncadd.s32 $0xFFFFFF00  }
0x3a: {  	[tilespmem:s6], [sflag:$0x3] =	stream.linear.gather [hbm4b:s5+s2], $0x100, $0x38;
	[tilespmem:$0x10200] =	vst v63  }
0x3b: {  	_ =	swait.ge [sflag:s4], $0x100  }
0x3c: {  	[sflag:s4] =	ssyncset.done $0x0  }
0x3d: {  	[sflag:s4] =	ssyncadd.s32 $0xFFFFFF00  }
0x3e: {  	[tilespmem:s9], [sflag:$0x1] =	stream.indirect.gather [hbm4b:s7+s8], $0x80, s2, s8, $0xb8;
	[tilespmem:$0x10200] =	vst v63  }
0x3f: {  	_ = 	snop  }
0x40: {  	[tilespmem:s10], [sflag:$0x1] =	stream.indirect.gather [hbm4b:s7+s8], $0x80, s6, s8, $0xb8;
	[tilespmem:$0x10200] =	vst v63  }
0x41: {  	_ = 	snop  }
0x42: {  	[tilespmem:s11], [sflag:$0x1] =	stream.indirect.gather [hbm4b:s7+s8], $0x80, s8, s8, $0xb8;
	[tilespmem:$0x10200] =	vst v63  }
0x43: {  	_ = 	snop  }
0x44: {  	[tilespmem:s13], [sflag:$0x1] =	stream.indirect.gather [hbm4b:s7+s8], $0x80, s12, s8, $0xb8;
	[tilespmem:$0x10200] =	vst v63  }
0x45: {  	_ =	swait.ge [sflag:s14], $0x4000  }
0x46: {  	[sflag:s14] =	ssyncset.done $0x0  }
0x47: {  	[sflag:s14] =	ssyncadd.s32 $0xFFFFC000  }
0x48: {  	_ =	swait.ge [sflag:s14], $0x4000  }
0x49: {  	[sflag:s14] =	ssyncset.done $0x0  }
0x4a: {  	[sflag:s14] =	ssyncadd.s32 $0xFFFFC000  }
0x4b: {  	_ =	swait.ge [sflag:s14], $0x4000  }
0x4c: {  	[sflag:s14] =	ssyncset.done $0x0  }
0x4d: {  	[sflag:s14] =	ssyncadd.s32 $0xFFFFC000  }
0x4e: {  	_ =	swait.ge [sflag:s14], $0x4000  }
0x4f: {  	[sflag:s14] =	ssyncset.done $0x0  }
0x50: {  	[sflag:s14] =	ssyncadd.s32 $0xFFFFC000  }
0x51: {  	[hbm4b:s15+s2] =	stream.linear.scatter [tilespmem:s9], [sflag:$0x2], $0x4000, $0x38;
	[tilespmem:$0x10200] =	vst v63  }
0x52: {  	_ = 	snop  }
0x53: {  	[hbm4b:s16+s2] =	stream.linear.scatter [tilespmem:s10], [sflag:$0x2], $0x4000, $0x38;
	[tilespmem:$0x10200] =	vst v63  }
0x54: {  	_ = 	snop  }
0x55: {  	[hbm4b:s17+s2] =	stream.linear.scatter [tilespmem:s11], [sflag:$0x2], $0x4000, $0x38;
	[tilespmem:$0x10200] =	vst v63  }
0x56: {  	_ = 	snop  }
0x57: {  	[hbm4b:s19+s2] =	stream.linear.scatter [tilespmem:s13], [sflag:$0x2], $0x4000, $0x38;
	[tilespmem:$0x10200] =	vst v63  }
0x58: {  	_ =	swait.ge [sflag:s18], $0x4000  }
0x59: {  	[sflag:s18] =	ssyncset.done $0x0  }
0x5a: {  	[sflag:s18] =	ssyncadd.s32 $0xFFFFC000  }
0x5b: {  	_ =	swait.ge [sflag:s18], $0x4000  }
0x5c: {  	[sflag:s18] =	ssyncset.done $0x0  }
0x5d: {  	[sflag:s18] =	ssyncadd.s32 $0xFFFFC000  }
.Ltmp1:
0x5e: {  	_ =	swait.ge [sflag:s18], $0x4000;
	(pc) =	sbr.rel @p0 .LBB2_1-.Ltmp1, $4  }
0x5f: {  	[sflag:s18] =	ssyncset.done $0x0  }
0x60: {  	[sflag:s18] =	ssyncadd.s32 $0xFFFFC000  }
0x61: {  	_ =	swait.ge [sflag:s18], $0x4000  }
0x62: {  	[sflag:s18] =	ssyncset.done $0x0  }
.LBB2_2:
0x63: {  	[sflag:s18] =	ssyncadd.s32 $0xFFFFC000  }
0x64: {  	_ =	sfence.sel $0x180000  }
0x65: {  	[bflag:$0x0] =	sbarrier.arrive $0xFFFF  }
0x66: {  	p0 =	sne.s32 s0, $0x0;
	_ =	strace $0x9000004A  }
0x67: {  	s0 =	sadd.s32 @!p0 $0x100000, s1;
	[bflag:$0x2] =	sbarrier.arrive $0xFFFF  }
0x68: {  	[sflag:s0] =	ssyncadd.tile.s32 @!p0 $0x1;
	_ =	shalt  }
.Lfunc_end2:
_tile_overlayer_lowered:
.L_overlay_start_2:
0x69: {  	(tag) =	ssettag $0x2  }
0x6a: {  	s0 =	rddreg [dreg:$0x0];
	s2 =	stileid.u32  }
0x6b: {  	s1 =	rddreg [dreg:$0x1];
	p0 =	sne.s32 s2, $0x0  }
0x6c: {  	s3 =	rddreg [dreg:$0x2];
	[bflag:$0x3] =	sbarrier.arrive $0xFFFF;
	s2 =	simm.s32 @!p0 $0x1C03  }
0x6d: {  	[timem:s3], [sflag:s2] =	dma.local @!p0 [hbm:s0], s1  }
0x6e: {  	s0 =	simm.s32 @!p0 $0x3  }
0x6f: {  	_ =	swait.ge @!p0 [sflag:s0], s1  }
0x70: {  	s1 =	ssub.s32 @!p0 $0x0, s1;
	[sflag:s0] =	ssyncset.done @!p0 $0x0  }
0x71: {  	[sflag:s0] =	ssyncadd.s32 @!p0 s1  }
0x72: {  	[bflag:$0x3] =	sbarrier.arrive $0xFFFF  }
0x73: {  	_ =	shalt  }

</sc_bundles>
